<compile_context>
chip_gen: v7x
topology: tpu7x:2x2x1
jax: 0.10.2.dev20260603
libtpu: 0.0.44.dev20260713+nightly
codegen_flags: <defaults>
</compile_context>

<pallas_src>
import functools

import jax
import jax.numpy as jnp
from jax import lax
from jax.experimental import pallas as pl
from jax.experimental.pallas import tpu as pltpu
from jax.experimental.pallas import tpu_sc as plsc

N = 100001
D = 128
B = 1024
P = 8
T = 20
H = 4
DK = 32
FACTOR = 1000.0

TOTAL_ROWS = B * T + B * P
NW = 32
ROWS_PER_W = TOTAL_ROWS // NW
CHUNK = 128
NBR_CH = B * T // (NW * CHUNK)
SELF_CH = B * P // (NW * CHUNK)
IDXPAD = 8
NBR_PW = NBR_CH * CHUNK
SELF_PW = SELF_CH * CHUNK


def _sc_gather(table, idx2d):
    mesh = plsc.VectorSubcoreMesh(core_axis_name="c", subcore_axis_name="s")

    @functools.partial(
        pl.kernel,
        mesh=mesh,
        out_type=(
            jax.ShapeDtypeStruct((B * T, D), jnp.float32),
            jax.ShapeDtypeStruct((B * P, D), jnp.float32),
        ),
        scratch_types=[
            pltpu.VMEM((IDXPAD, CHUNK), jnp.int32),
            pltpu.VMEM((ROWS_PER_W, D), jnp.float32),
            pltpu.SemaphoreType.DMA,
        ],
    )
    def gather_kernel(table_hbm, idx_hbm, nbr_hbm, self_hbm, idx_v, rows_v, sem):
        wid = lax.axis_index("s") * 2 + lax.axis_index("c")
        pltpu.sync_copy(idx_hbm.at[pl.ds(wid * IDXPAD, IDXPAD)], idx_v)
        copies = [
            pltpu.async_copy(
                table_hbm.at[idx_v.at[c]],
                rows_v.at[pl.ds(c * CHUNK, CHUNK)],
                sem,
            )
            for c in range(NBR_CH + SELF_CH)
        ]
        for cp in copies:
            cp.wait()
        pltpu.sync_copy(rows_v.at[pl.ds(0, NBR_PW)],
                        nbr_hbm.at[pl.ds(wid * NBR_PW, NBR_PW)])
        pltpu.sync_copy(rows_v.at[pl.ds(NBR_PW, SELF_PW)],
                        self_hbm.at[pl.ds(wid * SELF_PW, SELF_PW)])

    return gather_kernel(table, idx2d)


BLK = 128
GRID = B // BLK


def _dense_body(nbr_ref, self_ref, td_ref, m_ref, he_ref, hs_ref, hexp_ref,
                Wm_ref, Ws_ref, Wa_ref, be_ref, Wq_ref, Wk_ref, Wv_ref,
                Wo_ref, Wmu_ref, bmu_ref, Wal_ref, bal_ref,
                mu_ref, al_ref, edge_ref, node_ref, x_ref):
    f32 = jnp.float32
    dot = lambda a, b: jnp.dot(a, b, preferred_element_type=f32)
    BT, BP = T * BLK, P * BLK
    td = td_ref[...]
    m = m_ref[...]
    j = lax.broadcasted_iota(jnp.int32, (1, D), 1).astype(f32)
    freqs = 1.0 / (FACTOR ** (j / D))
    tes = []
    for t in range(T):
        z = td[:, t:t + 1] * freqs
        w = z * z
        tes.append(1.0 + w * (-0.5 + w * (1.0 / 24 + w * (-1.0 / 720 + w * (
            1.0 / 40320)))))
    te = jnp.concatenate(tes, axis=0)
    nbr = nbr_ref[...].reshape(BT, D)
    Wm = Wm_ref[...]
    msg = jnp.tanh(dot(nbr, Wm[:D]) + dot(te, Wm[D:]))
    sterms = [m[:, t:t + 1] * msg[t * BLK:(t + 1) * BLK, :] for t in range(T)]
    while len(sterms) > 1:
        sterms = [sterms[i] + sterms[i + 1] if i + 1 < len(sterms)
                  else sterms[i] for i in range(0, len(sterms), 2)]
    cnt = jnp.sum(m, axis=1, keepdims=True)
    agg = sterms[0] / (cnt + 1e-7)
    aggW = dot(agg, Wa_ref[...]) + be_ref[...]

    pd = (he_ref[...] != 0).astype(f32)
    selfr = self_ref[...].reshape(BP, D)
    x = jnp.tanh(dot(selfr, Ws_ref[...])
                 + jnp.concatenate([aggW] * P, axis=0))
    for p in range(P):
        x_ref[:, p, :] = x[p * BLK:(p + 1) * BLK, :]
    q = dot(x, Wq_ref[...])
    k = dot(x, Wk_ref[...])
    v = dot(x, Wv_ref[...])
    hs = hs_ref[...]
    hexp = hexp_ref[...]
    es = []
    for qt in range(P):
        krow = jnp.concatenate([k[qt * BLK:(qt + 1) * BLK, :]] * P, axis=0)
        mk = jnp.concatenate([pd[:, qt:qt + 1]] * P, axis=0)
        es.append(jnp.exp(dot(q * krow, hs)) * mk)
    ssum = es[0]
    for qt in range(1, P):
        ssum = ssum + es[qt]
    rs = 1.0 / (ssum + 1e-37)
    oterms = []
    for qt in range(P):
        vrow = jnp.concatenate([v[qt * BLK:(qt + 1) * BLK, :]] * P, axis=0)
        oterms.append(dot(es[qt] * rs, hexp) * vrow)
    while len(oterms) > 1:
        oterms = [oterms[i] + oterms[i + 1] for i in range(0, len(oterms), 2)]
    node = dot(oterms[0], Wo_ref[...])
    for p in range(P):
        node_ref[:, p, :] = node[p * BLK:(p + 1) * BLK, :]

    eterms = [pd[:, p:p + 1] * node[p * BLK:(p + 1) * BLK, :] for p in range(P)]
    while len(eterms) > 1:
        eterms = [eterms[i] + eterms[i + 1] for i in range(0, len(eterms), 2)]
    ecnt = jnp.sum(pd, axis=1, keepdims=True)
    emean = eterms[0] / (ecnt + 1e-7)
    for p in range(P):
        edge_ref[:, p, :] = emean
    zmu = dot(emean, Wmu_ref[...]) + bmu_ref[...]
    mu_ref[...] = 1.0 / (1.0 + jnp.exp(-zmu))
    zal = dot(emean, Wal_ref[...]) + bal_ref[...]
    al_ref[...] = jnp.maximum(zal, 0.0) + jnp.log(1.0 + jnp.exp(-jnp.abs(zal)))


def _np_consts():
    import numpy as np
    scale = 1.0 / np.sqrt(np.float32(DK))
    hs = (np.arange(D)[:, None] // DK == np.arange(H)[None, :]).astype(
        np.float32) * scale
    hexp = (np.arange(H)[:, None] == np.arange(D)[None, :] // DK).astype(
        np.float32)
    return hs, hexp


_HSUM, _HEXP = _np_consts()


def _tc_dense(nbr3, self3, time_delta, mask_f, he, W_msg, W_self, W_agg,
              b_enc, Wq, Wk, Wv, Wo, W_mu, b_mu, W_alpha, b_alpha,
              interpret=False):
    full = lambda shp: pl.BlockSpec(shp, lambda i: tuple(0 for _ in shp))
    return pl.pallas_call(
        _dense_body,
        grid=(GRID,),
        in_specs=[
            pl.BlockSpec((T, BLK, D), lambda i: (0, i, 0)),
            pl.BlockSpec((P, BLK, D), lambda i: (0, i, 0)),
            pl.BlockSpec((BLK, T), lambda i: (i, 0)),
            pl.BlockSpec((BLK, T), lambda i: (i, 0)),
            pl.BlockSpec((BLK, P), lambda i: (i, 0)),
            full((D, H)), full((H, D)),
            full((2 * D, D)), full((D, D)), full((D, D)), full((1, D)),
            full((D, D)), full((D, D)), full((D, D)), full((D, D)),
            full((D, 1)), full((1, 1)), full((D, 1)), full((1, 1)),
        ],
        out_specs=[
            pl.BlockSpec((BLK, 1), lambda i: (i, 0)),
            pl.BlockSpec((BLK, 1), lambda i: (i, 0)),
            pl.BlockSpec((BLK, P, D), lambda i: (i, 0, 0)),
            pl.BlockSpec((BLK, P, D), lambda i: (i, 0, 0)),
            pl.BlockSpec((BLK, P, D), lambda i: (i, 0, 0)),
        ],
        out_shape=[
            jax.ShapeDtypeStruct((B, 1), jnp.float32),
            jax.ShapeDtypeStruct((B, 1), jnp.float32),
            jax.ShapeDtypeStruct((B, P, D), jnp.float32),
            jax.ShapeDtypeStruct((B, P, D), jnp.float32),
            jax.ShapeDtypeStruct((B, P, D), jnp.float32),
        ],
        interpret=interpret,
    )(nbr3, self3, time_delta, mask_f, he, jnp.asarray(_HSUM),
      jnp.asarray(_HEXP), W_msg, W_self, W_agg, b_enc.reshape(1, D),
      Wq, Wk, Wv, Wo, W_mu, b_mu.reshape(1, 1), W_alpha, b_alpha.reshape(1, 1))


def kernel(memory, batch_hyperedge, batch_h_index, time_delta, batch_h_index_mask,
           W_msg, W_self, W_agg, b_enc, Wq, Wk, Wv, Wo, W_mu, b_mu, W_alpha, b_alpha):
    idx = jnp.concatenate([
        batch_h_index[0].T.reshape(NW, NBR_PW).astype(jnp.int32),
        batch_hyperedge.T.reshape(NW, SELF_PW).astype(jnp.int32),
    ], axis=1)
    idx = jnp.pad(idx, ((0, 0), (0, IDXPAD * CHUNK - ROWS_PER_W)))
    idx = idx.reshape(NW * IDXPAD, CHUNK)
    nbr_rows, self_rows = _sc_gather(memory, idx)
    mu, alpha, edge, node, x = _tc_dense(
        nbr_rows.reshape(T, B, D), self_rows.reshape(P, B, D), time_delta,
        batch_h_index_mask.astype(jnp.float32), batch_hyperedge.astype(jnp.int32),
        W_msg, W_self, W_agg, b_enc, Wq, Wk, Wv, Wo, W_mu, b_mu, W_alpha, b_alpha)
    return (mu, alpha, edge, node, x)

# --- scband reference (transcript-rebuilt; emitter-appended) ---
"""Pipeline reference for scband-node-hyperlink-71133248356943 (READ-ONLY COPY).

The authoritative reference and input builder live on the scoring server;
editing this copy changes nothing except your own understanding.
"""

import jax, jax.numpy as jnp
import numpy as np

N = 100001
D = 128
B = 1024
P = 8
T = 20
H = 4
DK = 32
DV = 32
FACTOR = 1000.0


def _time_embedding(td):
    j = jnp.arange(D, dtype=jnp.float32)
    freqs = 1.0 / (FACTOR ** (j / D))
    return jnp.cos(td[..., None] * freqs)


def setup_inputs(seed: int = 0):
    key = jax.random.key(seed)
    ks = jax.random.split(key, 18)
    s = 0.05
    return {
        "memory": jax.random.normal(ks[0], (N, D), dtype=jnp.float32),
        "batch_hyperedge": jax.random.randint(ks[1], (B, P), 0, N),
        "batch_h_index": jax.random.randint(ks[2], (2, B, T), 0, N),
        "time_delta": jax.random.uniform(ks[3], (B, T), dtype=jnp.float32),
        "batch_h_index_mask": jax.random.randint(ks[4], (B, T), 0, 2).astype(jnp.bool_),
        "W_msg": jax.random.normal(ks[5], (2 * D, D), dtype=jnp.float32) * s,
        "W_self": jax.random.normal(ks[6], (D, D), dtype=jnp.float32) * s,
        "W_agg": jax.random.normal(ks[7], (D, D), dtype=jnp.float32) * s,
        "b_enc": jnp.zeros((D,), dtype=jnp.float32),
        "Wq": jax.random.normal(ks[8], (D, H * DK), dtype=jnp.float32) * s,
        "Wk": jax.random.normal(ks[9], (D, H * DK), dtype=jnp.float32) * s,
        "Wv": jax.random.normal(ks[10], (D, H * DV), dtype=jnp.float32) * s,
        "Wo": jax.random.normal(ks[11], (H * DV, D), dtype=jnp.float32) * s,
        "W_mu": jax.random.normal(ks[12], (D, 1), dtype=jnp.float32) * s,
        "b_mu": jnp.zeros((1,), dtype=jnp.float32),
        "W_alpha": jax.random.normal(ks[13], (D, 1), dtype=jnp.float32) * s,
        "b_alpha": jnp.zeros((1,), dtype=jnp.float32),
    }


def reference(memory, batch_hyperedge, batch_h_index, time_delta, batch_h_index_mask,
              W_msg, W_self, W_agg, b_enc, Wq, Wk, Wv, Wo, W_mu, b_mu, W_alpha, b_alpha):
    # ---- HGCNEmbeddingContinuous encoder ----
    src = batch_h_index[0]                       # [B, T] temporal neighbor node ids
    nbr_feats = jnp.take(memory, src, axis=0)    # gather: [B, T, D]
    te = _time_embedding(time_delta)             # [B, T, D]
    msg = jnp.tanh(jnp.concatenate([nbr_feats, te], axis=-1) @ W_msg)  # [B, T, D]
    m = batch_h_index_mask.astype(jnp.float32)[..., None]
    agg = (msg * m).sum(axis=1) / (m.sum(axis=1) + 1e-7)               # [B, D]
    self_feats = jnp.take(memory, batch_hyperedge, axis=0)             # gather: [B, P, D]
    x = jnp.tanh(self_feats @ W_self + (agg @ W_agg)[:, None, :] + b_enc)  # [B, P, D]

    # ---- Classifier decoder: multi-head self-attention over hyperedge nodes ----
    pad_mask = (batch_hyperedge != 0)            # node id 0 is padding
    q = (x @ Wq).reshape(B, P, H, DK).transpose(0, 2, 1, 3)
    k = (x @ Wk).reshape(B, P, H, DK).transpose(0, 2, 1, 3)
    v = (x @ Wv).reshape(B, P, H, DV).transpose(0, 2, 1, 3)
    scores = jnp.einsum("bhpd,bhqd->bhpq", q, k) / jnp.sqrt(jnp.float32(DK))
    scores = jnp.where(pad_mask[:, None, None, :], scores, -1e9)
    attn = jax.nn.softmax(scores, axis=-1)
    out = jnp.einsum("bhpq,bhqd->bhpd", attn, v)
    out = out.transpose(0, 2, 1, 3).reshape(B, P, H * DV)
    node_embeddings = out @ Wo                   # [B, P, D]

    pm = pad_mask.astype(jnp.float32)[..., None]
    edge_mean = (node_embeddings * pm).sum(axis=1) / (pm.sum(axis=1) + 1e-7)  # [B, D]
    edge_embeddings = jnp.broadcast_to(edge_mean[:, None, :], (B, P, D))

    mu = jax.nn.sigmoid(edge_mean @ W_mu + b_mu)          # [B, 1]
    alpha = jax.nn.softplus(edge_mean @ W_alpha + b_alpha)  # [B, 1]
    return (mu, alpha, edge_embeddings, node_embeddings, x)

if __name__ == "__main__":
    import jax
    _d = setup_inputs()
    print(jax.jit(kernel)(*tuple(_d.values())))

</pallas_src>

<mosaic_0001>
#map = affine_map<(d0, d1) -> (0, 0)>
module attributes {stable_mosaic.version = 14 : i64} {
  func.func @gather_kernel(%arg0: i32, %arg1: i32, %arg2: memref<100001x128xf32, #tpu.memory_space<hbm>>, %arg3: memref<256x128xi32, #tpu.memory_space<hbm>>, %arg4: memref<20480x128xf32, #tpu.memory_space<hbm>>, %arg5: memref<8192x128xf32, #tpu.memory_space<hbm>>, %arg6: memref<8x128xi32, #tpu.memory_space<vmem>>, %arg7: memref<896x128xf32, #tpu.memory_space<vmem>>, %arg8: memref<!tpu.dma_semaphore, #tpu.memory_space<semaphore_mem>>) attributes {dimension_semantics = [#tpu.dimension_semantics<core_parallel>, #tpu.dimension_semantics<subcore_parallel>], iteration_bounds = array<i64: 2, 16>, scalar_prefetch = 0 : i64, scratch_operands = 3 : i64, tpu.core_type = #tpu.core_type<sc_vector_subcore>, window_params = [{transform_indices = #map}, {transform_indices = #map}, {transform_indices = #map}, {transform_indices = #map}]} {
    %mul3A = arith.constant 2 : i32
    %mul3A_0 = arith.muli %arg1, %mul3A : i32
    %add3A = arith.addi %mul3A_0, %arg0 : i32
    %mul3A_1 = arith.constant 8 : i32
    %mul3A_2 = arith.muli %add3A, %mul3A_1 : i32
    "tpu.region"() ({
      %run_scoped3A = tpu.sem_alloc : memref<!tpu.dma_semaphore, #tpu.memory_space<semaphore_mem>>
      %dma_start3A_145 = arith.constant 0 : i32
      %dma_start3A_146 = tpu.memref_slice %arg3[%mul3A_2, %dma_start3A_145] : memref<256x128xi32, #tpu.memory_space<hbm>> -> memref<8x128xi32, #tpu.memory_space<hbm>>
      %dma_start3A_147 = arith.constant 0 : i32
      %dma_start3A_148 = tpu.memref_slice %arg3[%mul3A_2, %dma_start3A_147] : memref<256x128xi32, #tpu.memory_space<hbm>> -> memref<8x128xi32, #tpu.memory_space<hbm>>
      tpu.enqueue_dma source(%dma_start3A_148 : memref<8x128xi32, #tpu.memory_space<hbm>>) target(%arg6 : memref<8x128xi32, #tpu.memory_space<vmem>>) target_semaphore(%run_scoped3A : memref<!tpu.dma_semaphore, #tpu.memory_space<semaphore_mem>>)
      %dma_wait3A_149 = arith.constant 0 : i32
      %dma_wait3A_150 = tpu.memref_slice %arg3[%mul3A_2, %dma_wait3A_149] : memref<256x128xi32, #tpu.memory_space<hbm>> -> memref<8x128xi32, #tpu.memory_space<hbm>>
      %dma_wait3A_151 = arith.constant 0 : i32
      %dma_wait3A_152 = tpu.memref_slice %arg3[%mul3A_2, %dma_wait3A_151] : memref<256x128xi32, #tpu.memory_space<hbm>> -> memref<8x128xi32, #tpu.memory_space<hbm>>
      tpu.wait_dma2 semaphore(%run_scoped3A : memref<!tpu.dma_semaphore, #tpu.memory_space<semaphore_mem>>) src(%dma_wait3A_152 : memref<8x128xi32, #tpu.memory_space<hbm>>) dst(%arg6 : memref<8x128xi32, #tpu.memory_space<vmem>>)
      tpu.yield
    }) : () -> ()
    %dma_start3A = arith.constant 0 : i32
    %dma_start3A_3 = arith.constant 0 : i32
    %dma_start3A_4 = arith.constant 0 : i32
    %dma_start3A_5 = tpu.memref_slice %arg7[%dma_start3A_3, %dma_start3A_4] : memref<896x128xf32, #tpu.memory_space<vmem>> -> memref<128x128xf32, #tpu.memory_space<vmem>>
    %dma_start3A_6 = arith.constant 0 : i32
    %dma_start3A_7 = tpu.memref_slice %arg6[%dma_start3A, %dma_start3A_6] : memref<8x128xi32, #tpu.memory_space<vmem>> -> memref<1x128xi32, #tpu.memory_space<vmem>>
    %dma_start3A_8 = tpu.memref_squeeze %dma_start3A_7 : memref<1x128xi32, #tpu.memory_space<vmem>> -> memref<128xi32, #tpu.memory_space<vmem>>
    %dma_start3A_9 = arith.constant 0 : i32
    %dma_start3A_10 = arith.constant 0 : i32
    %dma_start3A_11 = tpu.memref_slice %arg2[%dma_start3A_9, %dma_start3A_10] : memref<100001x128xf32, #tpu.memory_space<hbm>> -> memref<100001x128xf32, #tpu.memory_space<hbm>>
    tpu.enqueue_indirect_dma source(%dma_start3A_11 : memref<100001x128xf32, #tpu.memory_space<hbm>>) target(%dma_start3A_5 : memref<128x128xf32, #tpu.memory_space<vmem>>) offsets(%dma_start3A_8 : memref<128xi32, #tpu.memory_space<vmem>>) semaphore(%arg8 : memref<!tpu.dma_semaphore, #tpu.memory_space<semaphore_mem>>)
    %dma_start3A_12 = arith.constant 1 : i32
    %dma_start3A_13 = arith.constant 128 : i32
    %dma_start3A_14 = arith.constant 0 : i32
    %dma_start3A_15 = tpu.memref_slice %arg7[%dma_start3A_13, %dma_start3A_14] : memref<896x128xf32, #tpu.memory_space<vmem>> -> memref<128x128xf32, #tpu.memory_space<vmem>>
    %dma_start3A_16 = arith.constant 0 : i32
    %dma_start3A_17 = tpu.memref_slice %arg6[%dma_start3A_12, %dma_start3A_16] : memref<8x128xi32, #tpu.memory_space<vmem>> -> memref<1x128xi32, #tpu.memory_space<vmem>>
    %dma_start3A_18 = tpu.memref_squeeze %dma_start3A_17 : memref<1x128xi32, #tpu.memory_space<vmem>> -> memref<128xi32, #tpu.memory_space<vmem>>
    %dma_start3A_19 = arith.constant 0 : i32
    %dma_start3A_20 = arith.constant 0 : i32
    %dma_start3A_21 = tpu.memref_slice %arg2[%dma_start3A_19, %dma_start3A_20] : memref<100001x128xf32, #tpu.memory_space<hbm>> -> memref<100001x128xf32, #tpu.memory_space<hbm>>
    tpu.enqueue_indirect_dma source(%dma_start3A_21 : memref<100001x128xf32, #tpu.memory_space<hbm>>) target(%dma_start3A_15 : memref<128x128xf32, #tpu.memory_space<vmem>>) offsets(%dma_start3A_18 : memref<128xi32, #tpu.memory_space<vmem>>) semaphore(%arg8 : memref<!tpu.dma_semaphore, #tpu.memory_space<semaphore_mem>>)
    %dma_start3A_22 = arith.constant 2 : i32
    %dma_start3A_23 = arith.constant 256 : i32
    %dma_start3A_24 = arith.constant 0 : i32
    %dma_start3A_25 = tpu.memref_slice %arg7[%dma_start3A_23, %dma_start3A_24] : memref<896x128xf32, #tpu.memory_space<vmem>> -> memref<128x128xf32, #tpu.memory_space<vmem>>
    %dma_start3A_26 = arith.constant 0 : i32
    %dma_start3A_27 = tpu.memref_slice %arg6[%dma_start3A_22, %dma_start3A_26] : memref<8x128xi32, #tpu.memory_space<vmem>> -> memref<1x128xi32, #tpu.memory_space<vmem>>
    %dma_start3A_28 = tpu.memref_squeeze %dma_start3A_27 : memref<1x128xi32, #tpu.memory_space<vmem>> -> memref<128xi32, #tpu.memory_space<vmem>>
    %dma_start3A_29 = arith.constant 0 : i32
    %dma_start3A_30 = arith.constant 0 : i32
    %dma_start3A_31 = tpu.memref_slice %arg2[%dma_start3A_29, %dma_start3A_30] : memref<100001x128xf32, #tpu.memory_space<hbm>> -> memref<100001x128xf32, #tpu.memory_space<hbm>>
    tpu.enqueue_indirect_dma source(%dma_start3A_31 : memref<100001x128xf32, #tpu.memory_space<hbm>>) target(%dma_start3A_25 : memref<128x128xf32, #tpu.memory_space<vmem>>) offsets(%dma_start3A_28 : memref<128xi32, #tpu.memory_space<vmem>>) semaphore(%arg8 : memref<!tpu.dma_semaphore, #tpu.memory_space<semaphore_mem>>)
    %dma_start3A_32 = arith.constant 3 : i32
    %dma_start3A_33 = arith.constant 384 : i32
    %dma_start3A_34 = arith.constant 0 : i32
    %dma_start3A_35 = tpu.memref_slice %arg7[%dma_start3A_33, %dma_start3A_34] : memref<896x128xf32, #tpu.memory_space<vmem>> -> memref<128x128xf32, #tpu.memory_space<vmem>>
    %dma_start3A_36 = arith.constant 0 : i32
    %dma_start3A_37 = tpu.memref_slice %arg6[%dma_start3A_32, %dma_start3A_36] : memref<8x128xi32, #tpu.memory_space<vmem>> -> memref<1x128xi32, #tpu.memory_space<vmem>>
    %dma_start3A_38 = tpu.memref_squeeze %dma_start3A_37 : memref<1x128xi32, #tpu.memory_space<vmem>> -> memref<128xi32, #tpu.memory_space<vmem>>
    %dma_start3A_39 = arith.constant 0 : i32
    %dma_start3A_40 = arith.constant 0 : i32
    %dma_start3A_41 = tpu.memref_slice %arg2[%dma_start3A_39, %dma_start3A_40] : memref<100001x128xf32, #tpu.memory_space<hbm>> -> memref<100001x128xf32, #tpu.memory_space<hbm>>
    tpu.enqueue_indirect_dma source(%dma_start3A_41 : memref<100001x128xf32, #tpu.memory_space<hbm>>) target(%dma_start3A_35 : memref<128x128xf32, #tpu.memory_space<vmem>>) offsets(%dma_start3A_38 : memref<128xi32, #tpu.memory_space<vmem>>) semaphore(%arg8 : memref<!tpu.dma_semaphore, #tpu.memory_space<semaphore_mem>>)
    %dma_start3A_42 = arith.constant 4 : i32
    %dma_start3A_43 = arith.constant 512 : i32
    %dma_start3A_44 = arith.constant 0 : i32
    %dma_start3A_45 = tpu.memref_slice %arg7[%dma_start3A_43, %dma_start3A_44] : memref<896x128xf32, #tpu.memory_space<vmem>> -> memref<128x128xf32, #tpu.memory_space<vmem>>
    %dma_start3A_46 = arith.constant 0 : i32
    %dma_start3A_47 = tpu.memref_slice %arg6[%dma_start3A_42, %dma_start3A_46] : memref<8x128xi32, #tpu.memory_space<vmem>> -> memref<1x128xi32, #tpu.memory_space<vmem>>
    %dma_start3A_48 = tpu.memref_squeeze %dma_start3A_47 : memref<1x128xi32, #tpu.memory_space<vmem>> -> memref<128xi32, #tpu.memory_space<vmem>>
    %dma_start3A_49 = arith.constant 0 : i32
    %dma_start3A_50 = arith.constant 0 : i32
    %dma_start3A_51 = tpu.memref_slice %arg2[%dma_start3A_49, %dma_start3A_50] : memref<100001x128xf32, #tpu.memory_space<hbm>> -> memref<100001x128xf32, #tpu.memory_space<hbm>>
    tpu.enqueue_indirect_dma source(%dma_start3A_51 : memref<100001x128xf32, #tpu.memory_space<hbm>>) target(%dma_start3A_45 : memref<128x128xf32, #tpu.memory_space<vmem>>) offsets(%dma_start3A_48 : memref<128xi32, #tpu.memory_space<vmem>>) semaphore(%arg8 : memref<!tpu.dma_semaphore, #tpu.memory_space<semaphore_mem>>)
    %dma_start3A_52 = arith.constant 5 : i32
    %dma_start3A_53 = arith.constant 640 : i32
    %dma_start3A_54 = arith.constant 0 : i32
    %dma_start3A_55 = tpu.memref_slice %arg7[%dma_start3A_53, %dma_start3A_54] : memref<896x128xf32, #tpu.memory_space<vmem>> -> memref<128x128xf32, #tpu.memory_space<vmem>>
    %dma_start3A_56 = arith.constant 0 : i32
    %dma_start3A_57 = tpu.memref_slice %arg6[%dma_start3A_52, %dma_start3A_56] : memref<8x128xi32, #tpu.memory_space<vmem>> -> memref<1x128xi32, #tpu.memory_space<vmem>>
    %dma_start3A_58 = tpu.memref_squeeze %dma_start3A_57 : memref<1x128xi32, #tpu.memory_space<vmem>> -> memref<128xi32, #tpu.memory_space<vmem>>
    %dma_start3A_59 = arith.constant 0 : i32
    %dma_start3A_60 = arith.constant 0 : i32
    %dma_start3A_61 = tpu.memref_slice %arg2[%dma_start3A_59, %dma_start3A_60] : memref<100001x128xf32, #tpu.memory_space<hbm>> -> memref<100001x128xf32, #tpu.memory_space<hbm>>
    tpu.enqueue_indirect_dma source(%dma_start3A_61 : memref<100001x128xf32, #tpu.memory_space<hbm>>) target(%dma_start3A_55 : memref<128x128xf32, #tpu.memory_space<vmem>>) offsets(%dma_start3A_58 : memref<128xi32, #tpu.memory_space<vmem>>) semaphore(%arg8 : memref<!tpu.dma_semaphore, #tpu.memory_space<semaphore_mem>>)
    %dma_start3A_62 = arith.constant 6 : i32
    %dma_start3A_63 = arith.constant 768 : i32
    %dma_start3A_64 = arith.constant 0 : i32
    %dma_start3A_65 = tpu.memref_slice %arg7[%dma_start3A_63, %dma_start3A_64] : memref<896x128xf32, #tpu.memory_space<vmem>> -> memref<128x128xf32, #tpu.memory_space<vmem>>
    %dma_start3A_66 = arith.constant 0 : i32
    %dma_start3A_67 = tpu.memref_slice %arg6[%dma_start3A_62, %dma_start3A_66] : memref<8x128xi32, #tpu.memory_space<vmem>> -> memref<1x128xi32, #tpu.memory_space<vmem>>
    %dma_start3A_68 = tpu.memref_squeeze %dma_start3A_67 : memref<1x128xi32, #tpu.memory_space<vmem>> -> memref<128xi32, #tpu.memory_space<vmem>>
    %dma_start3A_69 = arith.constant 0 : i32
    %dma_start3A_70 = arith.constant 0 : i32
    %dma_start3A_71 = tpu.memref_slice %arg2[%dma_start3A_69, %dma_start3A_70] : memref<100001x128xf32, #tpu.memory_space<hbm>> -> memref<100001x128xf32, #tpu.memory_space<hbm>>
    tpu.enqueue_indirect_dma source(%dma_start3A_71 : memref<100001x128xf32, #tpu.memory_space<hbm>>) target(%dma_start3A_65 : memref<128x128xf32, #tpu.memory_space<vmem>>) offsets(%dma_start3A_68 : memref<128xi32, #tpu.memory_space<vmem>>) semaphore(%arg8 : memref<!tpu.dma_semaphore, #tpu.memory_space<semaphore_mem>>)
    %dma_wait3A = arith.constant 0 : i32
    %dma_wait3A_72 = arith.constant 0 : i32
    %dma_wait3A_73 = arith.constant 0 : i32
    %dma_wait3A_74 = tpu.memref_slice %arg7[%dma_wait3A_72, %dma_wait3A_73] : memref<896x128xf32, #tpu.memory_space<vmem>> -> memref<128x128xf32, #tpu.memory_space<vmem>>
    %dma_wait3A_75 = arith.constant 0 : i32
    %dma_wait3A_76 = tpu.memref_slice %arg6[%dma_wait3A, %dma_wait3A_75] : memref<8x128xi32, #tpu.memory_space<vmem>> -> memref<1x128xi32, #tpu.memory_space<vmem>>
    %dma_wait3A_77 = tpu.memref_squeeze %dma_wait3A_76 : memref<1x128xi32, #tpu.memory_space<vmem>> -> memref<128xi32, #tpu.memory_space<vmem>>
    %dma_wait3A_78 = arith.constant 0 : i32
    %dma_wait3A_79 = arith.constant 0 : i32
    %dma_wait3A_80 = tpu.memref_slice %arg2[%dma_wait3A_78, %dma_wait3A_79] : memref<100001x128xf32, #tpu.memory_space<hbm>> -> memref<100001x128xf32, #tpu.memory_space<hbm>>
    tpu.wait_indirect_dma semaphore(%arg8 : memref<!tpu.dma_semaphore, #tpu.memory_space<semaphore_mem>>) src(%dma_wait3A_80 : memref<100001x128xf32, #tpu.memory_space<hbm>>) dst(%dma_wait3A_74 : memref<128x128xf32, #tpu.memory_space<vmem>>)
    %dma_wait3A_81 = arith.constant 1 : i32
    %dma_wait3A_82 = arith.constant 128 : i32
    %dma_wait3A_83 = arith.constant 0 : i32
    %dma_wait3A_84 = tpu.memref_slice %arg7[%dma_wait3A_82, %dma_wait3A_83] : memref<896x128xf32, #tpu.memory_space<vmem>> -> memref<128x128xf32, #tpu.memory_space<vmem>>
    %dma_wait3A_85 = arith.constant 0 : i32
    %dma_wait3A_86 = tpu.memref_slice %arg6[%dma_wait3A_81, %dma_wait3A_85] : memref<8x128xi32, #tpu.memory_space<vmem>> -> memref<1x128xi32, #tpu.memory_space<vmem>>
    %dma_wait3A_87 = tpu.memref_squeeze %dma_wait3A_86 : memref<1x128xi32, #tpu.memory_space<vmem>> -> memref<128xi32, #tpu.memory_space<vmem>>
    %dma_wait3A_88 = arith.constant 0 : i32
    %dma_wait3A_89 = arith.constant 0 : i32
    %dma_wait3A_90 = tpu.memref_slice %arg2[%dma_wait3A_88, %dma_wait3A_89] : memref<100001x128xf32, #tpu.memory_space<hbm>> -> memref<100001x128xf32, #tpu.memory_space<hbm>>
    tpu.wait_indirect_dma semaphore(%arg8 : memref<!tpu.dma_semaphore, #tpu.memory_space<semaphore_mem>>) src(%dma_wait3A_90 : memref<100001x128xf32, #tpu.memory_space<hbm>>) dst(%dma_wait3A_84 : memref<128x128xf32, #tpu.memory_space<vmem>>)
    %dma_wait3A_91 = arith.constant 2 : i32
    %dma_wait3A_92 = arith.constant 256 : i32
    %dma_wait3A_93 = arith.constant 0 : i32
    %dma_wait3A_94 = tpu.memref_slice %arg7[%dma_wait3A_92, %dma_wait3A_93] : memref<896x128xf32, #tpu.memory_space<vmem>> -> memref<128x128xf32, #tpu.memory_space<vmem>>
    %dma_wait3A_95 = arith.constant 0 : i32
    %dma_wait3A_96 = tpu.memref_slice %arg6[%dma_wait3A_91, %dma_wait3A_95] : memref<8x128xi32, #tpu.memory_space<vmem>> -> memref<1x128xi32, #tpu.memory_space<vmem>>
    %dma_wait3A_97 = tpu.memref_squeeze %dma_wait3A_96 : memref<1x128xi32, #tpu.memory_space<vmem>> -> memref<128xi32, #tpu.memory_space<vmem>>
    %dma_wait3A_98 = arith.constant 0 : i32
    %dma_wait3A_99 = arith.constant 0 : i32
    %dma_wait3A_100 = tpu.memref_slice %arg2[%dma_wait3A_98, %dma_wait3A_99] : memref<100001x128xf32, #tpu.memory_space<hbm>> -> memref<100001x128xf32, #tpu.memory_space<hbm>>
    tpu.wait_indirect_dma semaphore(%arg8 : memref<!tpu.dma_semaphore, #tpu.memory_space<semaphore_mem>>) src(%dma_wait3A_100 : memref<100001x128xf32, #tpu.memory_space<hbm>>) dst(%dma_wait3A_94 : memref<128x128xf32, #tpu.memory_space<vmem>>)
    %dma_wait3A_101 = arith.constant 3 : i32
    %dma_wait3A_102 = arith.constant 384 : i32
    %dma_wait3A_103 = arith.constant 0 : i32
    %dma_wait3A_104 = tpu.memref_slice %arg7[%dma_wait3A_102, %dma_wait3A_103] : memref<896x128xf32, #tpu.memory_space<vmem>> -> memref<128x128xf32, #tpu.memory_space<vmem>>
    %dma_wait3A_105 = arith.constant 0 : i32
    %dma_wait3A_106 = tpu.memref_slice %arg6[%dma_wait3A_101, %dma_wait3A_105] : memref<8x128xi32, #tpu.memory_space<vmem>> -> memref<1x128xi32, #tpu.memory_space<vmem>>
    %dma_wait3A_107 = tpu.memref_squeeze %dma_wait3A_106 : memref<1x128xi32, #tpu.memory_space<vmem>> -> memref<128xi32, #tpu.memory_space<vmem>>
    %dma_wait3A_108 = arith.constant 0 : i32
    %dma_wait3A_109 = arith.constant 0 : i32
    %dma_wait3A_110 = tpu.memref_slice %arg2[%dma_wait3A_108, %dma_wait3A_109] : memref<100001x128xf32, #tpu.memory_space<hbm>> -> memref<100001x128xf32, #tpu.memory_space<hbm>>
    tpu.wait_indirect_dma semaphore(%arg8 : memref<!tpu.dma_semaphore, #tpu.memory_space<semaphore_mem>>) src(%dma_wait3A_110 : memref<100001x128xf32, #tpu.memory_space<hbm>>) dst(%dma_wait3A_104 : memref<128x128xf32, #tpu.memory_space<vmem>>)
    %dma_wait3A_111 = arith.constant 4 : i32
    %dma_wait3A_112 = arith.constant 512 : i32
    %dma_wait3A_113 = arith.constant 0 : i32
    %dma_wait3A_114 = tpu.memref_slice %arg7[%dma_wait3A_112, %dma_wait3A_113] : memref<896x128xf32, #tpu.memory_space<vmem>> -> memref<128x128xf32, #tpu.memory_space<vmem>>
    %dma_wait3A_115 = arith.constant 0 : i32
    %dma_wait3A_116 = tpu.memref_slice %arg6[%dma_wait3A_111, %dma_wait3A_115] : memref<8x128xi32, #tpu.memory_space<vmem>> -> memref<1x128xi32, #tpu.memory_space<vmem>>
    %dma_wait3A_117 = tpu.memref_squeeze %dma_wait3A_116 : memref<1x128xi32, #tpu.memory_space<vmem>> -> memref<128xi32, #tpu.memory_space<vmem>>
    %dma_wait3A_118 = arith.constant 0 : i32
    %dma_wait3A_119 = arith.constant 0 : i32
    %dma_wait3A_120 = tpu.memref_slice %arg2[%dma_wait3A_118, %dma_wait3A_119] : memref<100001x128xf32, #tpu.memory_space<hbm>> -> memref<100001x128xf32, #tpu.memory_space<hbm>>
    tpu.wait_indirect_dma semaphore(%arg8 : memref<!tpu.dma_semaphore, #tpu.memory_space<semaphore_mem>>) src(%dma_wait3A_120 : memref<100001x128xf32, #tpu.memory_space<hbm>>) dst(%dma_wait3A_114 : memref<128x128xf32, #tpu.memory_space<vmem>>)
    %dma_wait3A_121 = arith.constant 5 : i32
    %dma_wait3A_122 = arith.constant 640 : i32
    %dma_wait3A_123 = arith.constant 0 : i32
    %dma_wait3A_124 = tpu.memref_slice %arg7[%dma_wait3A_122, %dma_wait3A_123] : memref<896x128xf32, #tpu.memory_space<vmem>> -> memref<128x128xf32, #tpu.memory_space<vmem>>
    %dma_wait3A_125 = arith.constant 0 : i32
    %dma_wait3A_126 = tpu.memref_slice %arg6[%dma_wait3A_121, %dma_wait3A_125] : memref<8x128xi32, #tpu.memory_space<vmem>> -> memref<1x128xi32, #tpu.memory_space<vmem>>
    %dma_wait3A_127 = tpu.memref_squeeze %dma_wait3A_126 : memref<1x128xi32, #tpu.memory_space<vmem>> -> memref<128xi32, #tpu.memory_space<vmem>>
    %dma_wait3A_128 = arith.constant 0 : i32
    %dma_wait3A_129 = arith.constant 0 : i32
    %dma_wait3A_130 = tpu.memref_slice %arg2[%dma_wait3A_128, %dma_wait3A_129] : memref<100001x128xf32, #tpu.memory_space<hbm>> -> memref<100001x128xf32, #tpu.memory_space<hbm>>
    tpu.wait_indirect_dma semaphore(%arg8 : memref<!tpu.dma_semaphore, #tpu.memory_space<semaphore_mem>>) src(%dma_wait3A_130 : memref<100001x128xf32, #tpu.memory_space<hbm>>) dst(%dma_wait3A_124 : memref<128x128xf32, #tpu.memory_space<vmem>>)
    %dma_wait3A_131 = arith.constant 6 : i32
    %dma_wait3A_132 = arith.constant 768 : i32
    %dma_wait3A_133 = arith.constant 0 : i32
    %dma_wait3A_134 = tpu.memref_slice %arg7[%dma_wait3A_132, %dma_wait3A_133] : memref<896x128xf32, #tpu.memory_space<vmem>> -> memref<128x128xf32, #tpu.memory_space<vmem>>
    %dma_wait3A_135 = arith.constant 0 : i32
    %dma_wait3A_136 = tpu.memref_slice %arg6[%dma_wait3A_131, %dma_wait3A_135] : memref<8x128xi32, #tpu.memory_space<vmem>> -> memref<1x128xi32, #tpu.memory_space<vmem>>
    %dma_wait3A_137 = tpu.memref_squeeze %dma_wait3A_136 : memref<1x128xi32, #tpu.memory_space<vmem>> -> memref<128xi32, #tpu.memory_space<vmem>>
    %dma_wait3A_138 = arith.constant 0 : i32
    %dma_wait3A_139 = arith.constant 0 : i32
    %dma_wait3A_140 = tpu.memref_slice %arg2[%dma_wait3A_138, %dma_wait3A_139] : memref<100001x128xf32, #tpu.memory_space<hbm>> -> memref<100001x128xf32, #tpu.memory_space<hbm>>
    tpu.wait_indirect_dma semaphore(%arg8 : memref<!tpu.dma_semaphore, #tpu.memory_space<semaphore_mem>>) src(%dma_wait3A_140 : memref<100001x128xf32, #tpu.memory_space<hbm>>) dst(%dma_wait3A_134 : memref<128x128xf32, #tpu.memory_space<vmem>>)
    %mul3A_141 = arith.constant 640 : i32
    %mul3A_142 = arith.muli %add3A, %mul3A_141 : i32
    "tpu.region"() ({
      %run_scoped3A = tpu.sem_alloc : memref<!tpu.dma_semaphore, #tpu.memory_space<semaphore_mem>>
      %dma_start3A_145 = arith.constant 0 : i32
      %dma_start3A_146 = arith.constant 0 : i32
      %dma_start3A_147 = tpu.memref_slice %arg7[%dma_start3A_145, %dma_start3A_146] : memref<896x128xf32, #tpu.memory_space<vmem>> -> memref<640x128xf32, #tpu.memory_space<vmem>>
      %dma_start3A_148 = arith.constant 0 : i32
      %dma_start3A_149 = tpu.memref_slice %arg4[%mul3A_142, %dma_start3A_148] : memref<20480x128xf32, #tpu.memory_space<hbm>> -> memref<640x128xf32, #tpu.memory_space<hbm>>
      %dma_start3A_150 = arith.constant 0 : i32
      %dma_start3A_151 = tpu.memref_slice %arg4[%mul3A_142, %dma_start3A_150] : memref<20480x128xf32, #tpu.memory_space<hbm>> -> memref<640x128xf32, #tpu.memory_space<hbm>>
      %dma_start3A_152 = arith.constant 0 : i32
      %dma_start3A_153 = arith.constant 0 : i32
      %dma_start3A_154 = tpu.memref_slice %arg7[%dma_start3A_152, %dma_start3A_153] : memref<896x128xf32, #tpu.memory_space<vmem>> -> memref<640x128xf32, #tpu.memory_space<vmem>>
      tpu.enqueue_dma source(%dma_start3A_154 : memref<640x128xf32, #tpu.memory_space<vmem>>) target(%dma_start3A_151 : memref<640x128xf32, #tpu.memory_space<hbm>>) target_semaphore(%run_scoped3A : memref<!tpu.dma_semaphore, #tpu.memory_space<semaphore_mem>>)
      %dma_wait3A_155 = arith.constant 0 : i32
      %dma_wait3A_156 = arith.constant 0 : i32
      %dma_wait3A_157 = tpu.memref_slice %arg7[%dma_wait3A_155, %dma_wait3A_156] : memref<896x128xf32, #tpu.memory_space<vmem>> -> memref<640x128xf32, #tpu.memory_space<vmem>>
      %dma_wait3A_158 = arith.constant 0 : i32
      %dma_wait3A_159 = tpu.memref_slice %arg4[%mul3A_142, %dma_wait3A_158] : memref<20480x128xf32, #tpu.memory_space<hbm>> -> memref<640x128xf32, #tpu.memory_space<hbm>>
      %dma_wait3A_160 = arith.constant 0 : i32
      %dma_wait3A_161 = tpu.memref_slice %arg4[%mul3A_142, %dma_wait3A_160] : memref<20480x128xf32, #tpu.memory_space<hbm>> -> memref<640x128xf32, #tpu.memory_space<hbm>>
      %dma_wait3A_162 = arith.constant 0 : i32
      %dma_wait3A_163 = arith.constant 0 : i32
      %dma_wait3A_164 = tpu.memref_slice %arg7[%dma_wait3A_162, %dma_wait3A_163] : memref<896x128xf32, #tpu.memory_space<vmem>> -> memref<640x128xf32, #tpu.memory_space<vmem>>
      tpu.wait_dma2 semaphore(%run_scoped3A : memref<!tpu.dma_semaphore, #tpu.memory_space<semaphore_mem>>) src(%dma_wait3A_164 : memref<640x128xf32, #tpu.memory_space<vmem>>) dst(%dma_wait3A_161 : memref<640x128xf32, #tpu.memory_space<hbm>>)
      tpu.yield
    }) : () -> ()
    %mul3A_143 = arith.constant 256 : i32
    %mul3A_144 = arith.muli %add3A, %mul3A_143 : i32
    "tpu.region"() ({
      %run_scoped3A = tpu.sem_alloc : memref<!tpu.dma_semaphore, #tpu.memory_space<semaphore_mem>>
      %dma_start3A_145 = arith.constant 640 : i32
      %dma_start3A_146 = arith.constant 0 : i32
      %dma_start3A_147 = tpu.memref_slice %arg7[%dma_start3A_145, %dma_start3A_146] : memref<896x128xf32, #tpu.memory_space<vmem>> -> memref<256x128xf32, #tpu.memory_space<vmem>>
      %dma_start3A_148 = arith.constant 0 : i32
      %dma_start3A_149 = tpu.memref_slice %arg5[%mul3A_144, %dma_start3A_148] : memref<8192x128xf32, #tpu.memory_space<hbm>> -> memref<256x128xf32, #tpu.memory_space<hbm>>
      %dma_start3A_150 = arith.constant 0 : i32
      %dma_start3A_151 = tpu.memref_slice %arg5[%mul3A_144, %dma_start3A_150] : memref<8192x128xf32, #tpu.memory_space<hbm>> -> memref<256x128xf32, #tpu.memory_space<hbm>>
      %dma_start3A_152 = arith.constant 640 : i32
      %dma_start3A_153 = arith.constant 0 : i32
      %dma_start3A_154 = tpu.memref_slice %arg7[%dma_start3A_152, %dma_start3A_153] : memref<896x128xf32, #tpu.memory_space<vmem>> -> memref<256x128xf32, #tpu.memory_space<vmem>>
      tpu.enqueue_dma source(%dma_start3A_154 : memref<256x128xf32, #tpu.memory_space<vmem>>) target(%dma_start3A_151 : memref<256x128xf32, #tpu.memory_space<hbm>>) target_semaphore(%run_scoped3A : memref<!tpu.dma_semaphore, #tpu.memory_space<semaphore_mem>>)
      %dma_wait3A_155 = arith.constant 640 : i32
      %dma_wait3A_156 = arith.constant 0 : i32
      %dma_wait3A_157 = tpu.memref_slice %arg7[%dma_wait3A_155, %dma_wait3A_156] : memref<896x128xf32, #tpu.memory_space<vmem>> -> memref<256x128xf32, #tpu.memory_space<vmem>>
      %dma_wait3A_158 = arith.constant 0 : i32
      %dma_wait3A_159 = tpu.memref_slice %arg5[%mul3A_144, %dma_wait3A_158] : memref<8192x128xf32, #tpu.memory_space<hbm>> -> memref<256x128xf32, #tpu.memory_space<hbm>>
      %dma_wait3A_160 = arith.constant 0 : i32
      %dma_wait3A_161 = tpu.memref_slice %arg5[%mul3A_144, %dma_wait3A_160] : memref<8192x128xf32, #tpu.memory_space<hbm>> -> memref<256x128xf32, #tpu.memory_space<hbm>>
      %dma_wait3A_162 = arith.constant 640 : i32
      %dma_wait3A_163 = arith.constant 0 : i32
      %dma_wait3A_164 = tpu.memref_slice %arg7[%dma_wait3A_162, %dma_wait3A_163] : memref<896x128xf32, #tpu.memory_space<vmem>> -> memref<256x128xf32, #tpu.memory_space<vmem>>
      tpu.wait_dma2 semaphore(%run_scoped3A : memref<!tpu.dma_semaphore, #tpu.memory_space<semaphore_mem>>) src(%dma_wait3A_164 : memref<256x128xf32, #tpu.memory_space<vmem>>) dst(%dma_wait3A_161 : memref<256x128xf32, #tpu.memory_space<hbm>>)
      tpu.yield
    }) : () -> ()
    return
  }
}

module attributes {stable_mosaic.version = 14 : i64} {
  func.func @_dense_body(%arg0: i32, %arg1: memref<20x128x128xf32, #tpu.memory_space<vmem>>, %arg2: memref<8x128x128xf32, #tpu.memory_space<vmem>>, %arg3: memref<128x20xf32, #tpu.memory_space<vmem>>, %arg4: memref<128x20xf32, #tpu.memory_space<vmem>>, %arg5: memref<128x8xi32, #tpu.memory_space<vmem>>, %arg6: memref<128x4xf32, #tpu.memory_space<vmem>>, %arg7: memref<4x128xf32, #tpu.memory_space<vmem>>, %arg8: memref<256x128xf32, #tpu.memory_space<vmem>>, %arg9: memref<128x128xf32, #tpu.memory_space<vmem>>, %arg10: memref<128x128xf32, #tpu.memory_space<vmem>>, %arg11: memref<1x128xf32, #tpu.memory_space<vmem>>, %arg12: memref<128x128xf32, #tpu.memory_space<vmem>>, %arg13: memref<128x128xf32, #tpu.memory_space<vmem>>, %arg14: memref<128x128xf32, #tpu.memory_space<vmem>>, %arg15: memref<128x128xf32, #tpu.memory_space<vmem>>, %arg16: memref<128x1xf32, #tpu.memory_space<vmem>>, %arg17: memref<1x1xf32, #tpu.memory_space<vmem>>, %arg18: memref<128x1xf32, #tpu.memory_space<vmem>>, %arg19: memref<1x1xf32, #tpu.memory_space<vmem>>, %arg20: memref<128x1xf32, #tpu.memory_space<vmem>>, %arg21: memref<128x1xf32, #tpu.memory_space<vmem>>, %arg22: memref<128x8x128xf32, #tpu.memory_space<vmem>>, %arg23: memref<128x8x128xf32, #tpu.memory_space<vmem>>, %arg24: memref<128x8x128xf32, #tpu.memory_space<vmem>>) attributes {dimension_semantics = [#tpu.dimension_semantics<arbitrary>], iteration_bounds = array<i64: 8>, scalar_prefetch = 0 : i64, scratch_operands = 0 : i64, tpu.core_type = #tpu.core_type<tc>, window_params = [{transform_indices = @transform_0, window_bounds = array<i64: 20, 128, 128>}, {transform_indices = @transform_1, window_bounds = array<i64: 8, 128, 128>}, {transform_indices = @transform_2, window_bounds = array<i64: 128, 20>}, {transform_indices = @transform_3, window_bounds = array<i64: 128, 20>}, {transform_indices = @transform_4, window_bounds = array<i64: 128, 8>}, {pipeline_mode = #tpu.pipeline_mode<synchronous>, transform_indices = @transform_5, window_bounds = array<i64: 128, 4>}, {pipeline_mode = #tpu.pipeline_mode<synchronous>, transform_indices = @transform_6, window_bounds = array<i64: 4, 128>}, {pipeline_mode = #tpu.pipeline_mode<synchronous>, transform_indices = @transform_7, window_bounds = array<i64: 256, 128>}, {pipeline_mode = #tpu.pipeline_mode<synchronous>, transform_indices = @transform_8, window_bounds = array<i64: 128, 128>}, {pipeline_mode = #tpu.pipeline_mode<synchronous>, transform_indices = @transform_9, window_bounds = array<i64: 128, 128>}, {pipeline_mode = #tpu.pipeline_mode<synchronous>, transform_indices = @transform_10, window_bounds = array<i64: 1, 128>}, {pipeline_mode = #tpu.pipeline_mode<synchronous>, transform_indices = @transform_11, window_bounds = array<i64: 128, 128>}, {pipeline_mode = #tpu.pipeline_mode<synchronous>, transform_indices = @transform_12, window_bounds = array<i64: 128, 128>}, {pipeline_mode = #tpu.pipeline_mode<synchronous>, transform_indices = @transform_13, window_bounds = array<i64: 128, 128>}, {pipeline_mode = #tpu.pipeline_mode<synchronous>, transform_indices = @transform_14, window_bounds = array<i64: 128, 128>}, {pipeline_mode = #tpu.pipeline_mode<synchronous>, transform_indices = @transform_15, window_bounds = array<i64: 128, 1>}, {pipeline_mode = #tpu.pipeline_mode<synchronous>, transform_indices = @transform_16, window_bounds = array<i64: 1, 1>}, {pipeline_mode = #tpu.pipeline_mode<synchronous>, transform_indices = @transform_17, window_bounds = array<i64: 128, 1>}, {pipeline_mode = #tpu.pipeline_mode<synchronous>, transform_indices = @transform_18, window_bounds = array<i64: 1, 1>}, {transform_indices = @transform_19, window_bounds = array<i64: 128, 1>}, {transform_indices = @transform_20, window_bounds = array<i64: 128, 1>}, {transform_indices = @transform_21, window_bounds = array<i64: 128, 8, 128>}, {transform_indices = @transform_22, window_bounds = array<i64: 128, 8, 128>}, {transform_indices = @transform_23, window_bounds = array<i64: 128, 8, 128>}]} {
    %get3A = arith.constant 0 : index
    %get3A_0 = arith.constant 0 : index
    %get3A_1 = vector.load %arg3[%get3A, %get3A_0] : memref<128x20xf32, #tpu.memory_space<vmem>>, vector<128x20xf32>
    %get3A_2 = arith.constant 0 : index
    %get3A_3 = arith.constant 0 : index
    %get3A_4 = vector.load %arg4[%get3A_2, %get3A_3] : memref<128x20xf32, #tpu.memory_space<vmem>>, vector<128x20xf32>
    %iota3A = tpu.iota {dimensions = array<i32: 1>} : vector<1x128xi32>
    %convert_element_type3A = arith.sitofp %iota3A : vector<1x128xi32> to vector<1x128xf32>
    %div3A = arith.constant 1.280000e+02 : f32
    %div3A_5 = vector.broadcast %div3A : f32 to vector<1x128xf32>
    %div3A_6 = arith.divf %convert_element_type3A, %div3A_5 : vector<1x128xf32>
    %pow3A = arith.constant 1.000000e+03 : f32
    %pow3A_7 = vector.broadcast %pow3A : f32 to vector<1x128xf32>
    %pow3A_8 = math.powf %pow3A_7, %div3A_6 : vector<1x128xf32>
    %div3A_9 = arith.constant 1.000000e+00 : f32
    %div3A_10 = vector.broadcast %div3A_9 : f32 to vector<1x128xf32>
    %div3A_11 = arith.divf %div3A_10, %pow3A_8 : vector<1x128xf32>
    %slice3A = vector.extract_strided_slice %get3A_1 {offsets = [0, 0], sizes = [128, 1], strides = [1, 1]} : vector<128x20xf32> to vector<128x1xf32>
    %mul3A = vector.broadcast %slice3A : vector<128x1xf32> to vector<128x128xf32>
    %mul3A_12 = vector.broadcast %div3A_11 : vector<1x128xf32> to vector<128x128xf32>
    %mul3A_13 = arith.mulf %mul3A, %mul3A_12 : vector<128x128xf32>
    %mul3A_14 = arith.mulf %mul3A_13, %mul3A_13 : vector<128x128xf32>
    %mul3A_15 = arith.constant 2.48015876E-5 : f32
    %mul3A_16 = vector.broadcast %mul3A_15 : f32 to vector<128x128xf32>
    %mul3A_17 = arith.mulf %mul3A_14, %mul3A_16 : vector<128x128xf32>
    %add3A = arith.constant -0.00138888892 : f32
    %add3A_18 = vector.broadcast %add3A : f32 to vector<128x128xf32>
    %add3A_19 = arith.addf %add3A_18, %mul3A_17 : vector<128x128xf32>
    %mul3A_20 = arith.mulf %mul3A_14, %add3A_19 : vector<128x128xf32>
    %add3A_21 = arith.constant 0.0416666679 : f32
    %add3A_22 = vector.broadcast %add3A_21 : f32 to vector<128x128xf32>
    %add3A_23 = arith.addf %add3A_22, %mul3A_20 : vector<128x128xf32>
    %mul3A_24 = arith.mulf %mul3A_14, %add3A_23 : vector<128x128xf32>
    %add3A_25 = arith.constant -5.000000e-01 : f32
    %add3A_26 = vector.broadcast %add3A_25 : f32 to vector<128x128xf32>
    %add3A_27 = arith.addf %add3A_26, %mul3A_24 : vector<128x128xf32>
    %mul3A_28 = arith.mulf %mul3A_14, %add3A_27 : vector<128x128xf32>
    %add3A_29 = arith.constant 1.000000e+00 : f32
    %add3A_30 = vector.broadcast %add3A_29 : f32 to vector<128x128xf32>
    %add3A_31 = arith.addf %add3A_30, %mul3A_28 : vector<128x128xf32>
    %slice3A_32 = vector.extract_strided_slice %get3A_1 {offsets = [0, 1], sizes = [128, 1], strides = [1, 1]} : vector<128x20xf32> to vector<128x1xf32>
    %mul3A_33 = vector.broadcast %slice3A_32 : vector<128x1xf32> to vector<128x128xf32>
    %mul3A_34 = vector.broadcast %div3A_11 : vector<1x128xf32> to vector<128x128xf32>
    %mul3A_35 = arith.mulf %mul3A_33, %mul3A_34 : vector<128x128xf32>
    %mul3A_36 = arith.mulf %mul3A_35, %mul3A_35 : vector<128x128xf32>
    %mul3A_37 = arith.constant 2.48015876E-5 : f32
    %mul3A_38 = vector.broadcast %mul3A_37 : f32 to vector<128x128xf32>
    %mul3A_39 = arith.mulf %mul3A_36, %mul3A_38 : vector<128x128xf32>
    %add3A_40 = arith.constant -0.00138888892 : f32
    %add3A_41 = vector.broadcast %add3A_40 : f32 to vector<128x128xf32>
    %add3A_42 = arith.addf %add3A_41, %mul3A_39 : vector<128x128xf32>
    %mul3A_43 = arith.mulf %mul3A_36, %add3A_42 : vector<128x128xf32>
    %add3A_44 = arith.constant 0.0416666679 : f32
    %add3A_45 = vector.broadcast %add3A_44 : f32 to vector<128x128xf32>
    %add3A_46 = arith.addf %add3A_45, %mul3A_43 : vector<128x128xf32>
    %mul3A_47 = arith.mulf %mul3A_36, %add3A_46 : vector<128x128xf32>
    %add3A_48 = arith.constant -5.000000e-01 : f32
    %add3A_49 = vector.broadcast %add3A_48 : f32 to vector<128x128xf32>
    %add3A_50 = arith.addf %add3A_49, %mul3A_47 : vector<128x128xf32>
    %mul3A_51 = arith.mulf %mul3A_36, %add3A_50 : vector<128x128xf32>
    %add3A_52 = arith.constant 1.000000e+00 : f32
    %add3A_53 = vector.broadcast %add3A_52 : f32 to vector<128x128xf32>
    %add3A_54 = arith.addf %add3A_53, %mul3A_51 : vector<128x128xf32>
    %slice3A_55 = vector.extract_strided_slice %get3A_1 {offsets = [0, 2], sizes = [128, 1], strides = [1, 1]} : vector<128x20xf32> to vector<128x1xf32>
    %mul3A_56 = vector.broadcast %slice3A_55 : vector<128x1xf32> to vector<128x128xf32>
    %mul3A_57 = vector.broadcast %div3A_11 : vector<1x128xf32> to vector<128x128xf32>
    %mul3A_58 = arith.mulf %mul3A_56, %mul3A_57 : vector<128x128xf32>
    %mul3A_59 = arith.mulf %mul3A_58, %mul3A_58 : vector<128x128xf32>
    %mul3A_60 = arith.constant 2.48015876E-5 : f32
    %mul3A_61 = vector.broadcast %mul3A_60 : f32 to vector<128x128xf32>
    %mul3A_62 = arith.mulf %mul3A_59, %mul3A_61 : vector<128x128xf32>
    %add3A_63 = arith.constant -0.00138888892 : f32
    %add3A_64 = vector.broadcast %add3A_63 : f32 to vector<128x128xf32>
    %add3A_65 = arith.addf %add3A_64, %mul3A_62 : vector<128x128xf32>
    %mul3A_66 = arith.mulf %mul3A_59, %add3A_65 : vector<128x128xf32>
    %add3A_67 = arith.constant 0.0416666679 : f32
    %add3A_68 = vector.broadcast %add3A_67 : f32 to vector<128x128xf32>
    %add3A_69 = arith.addf %add3A_68, %mul3A_66 : vector<128x128xf32>
    %mul3A_70 = arith.mulf %mul3A_59, %add3A_69 : vector<128x128xf32>
    %add3A_71 = arith.constant -5.000000e-01 : f32
    %add3A_72 = vector.broadcast %add3A_71 : f32 to vector<128x128xf32>
    %add3A_73 = arith.addf %add3A_72, %mul3A_70 : vector<128x128xf32>
    %mul3A_74 = arith.mulf %mul3A_59, %add3A_73 : vector<128x128xf32>
    %add3A_75 = arith.constant 1.000000e+00 : f32
    %add3A_76 = vector.broadcast %add3A_75 : f32 to vector<128x128xf32>
    %add3A_77 = arith.addf %add3A_76, %mul3A_74 : vector<128x128xf32>
    %slice3A_78 = vector.extract_strided_slice %get3A_1 {offsets = [0, 3], sizes = [128, 1], strides = [1, 1]} : vector<128x20xf32> to vector<128x1xf32>
    %mul3A_79 = vector.broadcast %slice3A_78 : vector<128x1xf32> to vector<128x128xf32>
    %mul3A_80 = vector.broadcast %div3A_11 : vector<1x128xf32> to vector<128x128xf32>
    %mul3A_81 = arith.mulf %mul3A_79, %mul3A_80 : vector<128x128xf32>
    %mul3A_82 = arith.mulf %mul3A_81, %mul3A_81 : vector<128x128xf32>
    %mul3A_83 = arith.constant 2.48015876E-5 : f32
    %mul3A_84 = vector.broadcast %mul3A_83 : f32 to vector<128x128xf32>
    %mul3A_85 = arith.mulf %mul3A_82, %mul3A_84 : vector<128x128xf32>
    %add3A_86 = arith.constant -0.00138888892 : f32
    %add3A_87 = vector.broadcast %add3A_86 : f32 to vector<128x128xf32>
    %add3A_88 = arith.addf %add3A_87, %mul3A_85 : vector<128x128xf32>
    %mul3A_89 = arith.mulf %mul3A_82, %add3A_88 : vector<128x128xf32>
    %add3A_90 = arith.constant 0.0416666679 : f32
    %add3A_91 = vector.broadcast %add3A_90 : f32 to vector<128x128xf32>
    %add3A_92 = arith.addf %add3A_91, %mul3A_89 : vector<128x128xf32>
    %mul3A_93 = arith.mulf %mul3A_82, %add3A_92 : vector<128x128xf32>
    %add3A_94 = arith.constant -5.000000e-01 : f32
    %add3A_95 = vector.broadcast %add3A_94 : f32 to vector<128x128xf32>
    %add3A_96 = arith.addf %add3A_95, %mul3A_93 : vector<128x128xf32>
    %mul3A_97 = arith.mulf %mul3A_82, %add3A_96 : vector<128x128xf32>
    %add3A_98 = arith.constant 1.000000e+00 : f32
    %add3A_99 = vector.broadcast %add3A_98 : f32 to vector<128x128xf32>
    %add3A_100 = arith.addf %add3A_99, %mul3A_97 : vector<128x128xf32>
    %slice3A_101 = vector.extract_strided_slice %get3A_1 {offsets = [0, 4], sizes = [128, 1], strides = [1, 1]} : vector<128x20xf32> to vector<128x1xf32>
    %mul3A_102 = vector.broadcast %slice3A_101 : vector<128x1xf32> to vector<128x128xf32>
    %mul3A_103 = vector.broadcast %div3A_11 : vector<1x128xf32> to vector<128x128xf32>
    %mul3A_104 = arith.mulf %mul3A_102, %mul3A_103 : vector<128x128xf32>
    %mul3A_105 = arith.mulf %mul3A_104, %mul3A_104 : vector<128x128xf32>
    %mul3A_106 = arith.constant 2.48015876E-5 : f32
    %mul3A_107 = vector.broadcast %mul3A_106 : f32 to vector<128x128xf32>
    %mul3A_108 = arith.mulf %mul3A_105, %mul3A_107 : vector<128x128xf32>
    %add3A_109 = arith.constant -0.00138888892 : f32
    %add3A_110 = vector.broadcast %add3A_109 : f32 to vector<128x128xf32>
    %add3A_111 = arith.addf %add3A_110, %mul3A_108 : vector<128x128xf32>
    %mul3A_112 = arith.mulf %mul3A_105, %add3A_111 : vector<128x128xf32>
    %add3A_113 = arith.constant 0.0416666679 : f32
    %add3A_114 = vector.broadcast %add3A_113 : f32 to vector<128x128xf32>
    %add3A_115 = arith.addf %add3A_114, %mul3A_112 : vector<128x128xf32>
    %mul3A_116 = arith.mulf %mul3A_105, %add3A_115 : vector<128x128xf32>
    %add3A_117 = arith.constant -5.000000e-01 : f32
    %add3A_118 = vector.broadcast %add3A_117 : f32 to vector<128x128xf32>
    %add3A_119 = arith.addf %add3A_118, %mul3A_116 : vector<128x128xf32>
    %mul3A_120 = arith.mulf %mul3A_105, %add3A_119 : vector<128x128xf32>
    %add3A_121 = arith.constant 1.000000e+00 : f32
    %add3A_122 = vector.broadcast %add3A_121 : f32 to vector<128x128xf32>
    %add3A_123 = arith.addf %add3A_122, %mul3A_120 : vector<128x128xf32>
    %slice3A_124 = vector.extract_strided_slice %get3A_1 {offsets = [0, 5], sizes = [128, 1], strides = [1, 1]} : vector<128x20xf32> to vector<128x1xf32>
    %mul3A_125 = vector.broadcast %slice3A_124 : vector<128x1xf32> to vector<128x128xf32>
    %mul3A_126 = vector.broadcast %div3A_11 : vector<1x128xf32> to vector<128x128xf32>
    %mul3A_127 = arith.mulf %mul3A_125, %mul3A_126 : vector<128x128xf32>
    %mul3A_128 = arith.mulf %mul3A_127, %mul3A_127 : vector<128x128xf32>
    %mul3A_129 = arith.constant 2.48015876E-5 : f32
    %mul3A_130 = vector.broadcast %mul3A_129 : f32 to vector<128x128xf32>
    %mul3A_131 = arith.mulf %mul3A_128, %mul3A_130 : vector<128x128xf32>
    %add3A_132 = arith.constant -0.00138888892 : f32
    %add3A_133 = vector.broadcast %add3A_132 : f32 to vector<128x128xf32>
    %add3A_134 = arith.addf %add3A_133, %mul3A_131 : vector<128x128xf32>
    %mul3A_135 = arith.mulf %mul3A_128, %add3A_134 : vector<128x128xf32>
    %add3A_136 = arith.constant 0.0416666679 : f32
    %add3A_137 = vector.broadcast %add3A_136 : f32 to vector<128x128xf32>
    %add3A_138 = arith.addf %add3A_137, %mul3A_135 : vector<128x128xf32>
    %mul3A_139 = arith.mulf %mul3A_128, %add3A_138 : vector<128x128xf32>
    %add3A_140 = arith.constant -5.000000e-01 : f32
    %add3A_141 = vector.broadcast %add3A_140 : f32 to vector<128x128xf32>
    %add3A_142 = arith.addf %add3A_141, %mul3A_139 : vector<128x128xf32>
    %mul3A_143 = arith.mulf %mul3A_128, %add3A_142 : vector<128x128xf32>
    %add3A_144 = arith.constant 1.000000e+00 : f32
    %add3A_145 = vector.broadcast %add3A_144 : f32 to vector<128x128xf32>
    %add3A_146 = arith.addf %add3A_145, %mul3A_143 : vector<128x128xf32>
    %slice3A_147 = vector.extract_strided_slice %get3A_1 {offsets = [0, 6], sizes = [128, 1], strides = [1, 1]} : vector<128x20xf32> to vector<128x1xf32>
    %mul3A_148 = vector.broadcast %slice3A_147 : vector<128x1xf32> to vector<128x128xf32>
    %mul3A_149 = vector.broadcast %div3A_11 : vector<1x128xf32> to vector<128x128xf32>
    %mul3A_150 = arith.mulf %mul3A_148, %mul3A_149 : vector<128x128xf32>
    %mul3A_151 = arith.mulf %mul3A_150, %mul3A_150 : vector<128x128xf32>
    %mul3A_152 = arith.constant 2.48015876E-5 : f32
    %mul3A_153 = vector.broadcast %mul3A_152 : f32 to vector<128x128xf32>
    %mul3A_154 = arith.mulf %mul3A_151, %mul3A_153 : vector<128x128xf32>
    %add3A_155 = arith.constant -0.00138888892 : f32
    %add3A_156 = vector.broadcast %add3A_155 : f32 to vector<128x128xf32>
    %add3A_157 = arith.addf %add3A_156, %mul3A_154 : vector<128x128xf32>
    %mul3A_158 = arith.mulf %mul3A_151, %add3A_157 : vector<128x128xf32>
    %add3A_159 = arith.constant 0.0416666679 : f32
    %add3A_160 = vector.broadcast %add3A_159 : f32 to vector<128x128xf32>
    %add3A_161 = arith.addf %add3A_160, %mul3A_158 : vector<128x128xf32>
    %mul3A_162 = arith.mulf %mul3A_151, %add3A_161 : vector<128x128xf32>
    %add3A_163 = arith.constant -5.000000e-01 : f32
    %add3A_164 = vector.broadcast %add3A_163 : f32 to vector<128x128xf32>
    %add3A_165 = arith.addf %add3A_164, %mul3A_162 : vector<128x128xf32>
    %mul3A_166 = arith.mulf %mul3A_151, %add3A_165 : vector<128x128xf32>
    %add3A_167 = arith.constant 1.000000e+00 : f32
    %add3A_168 = vector.broadcast %add3A_167 : f32 to vector<128x128xf32>
    %add3A_169 = arith.addf %add3A_168, %mul3A_166 : vector<128x128xf32>
    %slice3A_170 = vector.extract_strided_slice %get3A_1 {offsets = [0, 7], sizes = [128, 1], strides = [1, 1]} : vector<128x20xf32> to vector<128x1xf32>
    %mul3A_171 = vector.broadcast %slice3A_170 : vector<128x1xf32> to vector<128x128xf32>
    %mul3A_172 = vector.broadcast %div3A_11 : vector<1x128xf32> to vector<128x128xf32>
    %mul3A_173 = arith.mulf %mul3A_171, %mul3A_172 : vector<128x128xf32>
    %mul3A_174 = arith.mulf %mul3A_173, %mul3A_173 : vector<128x128xf32>
    %mul3A_175 = arith.constant 2.48015876E-5 : f32
    %mul3A_176 = vector.broadcast %mul3A_175 : f32 to vector<128x128xf32>
    %mul3A_177 = arith.mulf %mul3A_174, %mul3A_176 : vector<128x128xf32>
    %add3A_178 = arith.constant -0.00138888892 : f32
    %add3A_179 = vector.broadcast %add3A_178 : f32 to vector<128x128xf32>
    %add3A_180 = arith.addf %add3A_179, %mul3A_177 : vector<128x128xf32>
    %mul3A_181 = arith.mulf %mul3A_174, %add3A_180 : vector<128x128xf32>
    %add3A_182 = arith.constant 0.0416666679 : f32
    %add3A_183 = vector.broadcast %add3A_182 : f32 to vector<128x128xf32>
    %add3A_184 = arith.addf %add3A_183, %mul3A_181 : vector<128x128xf32>
    %mul3A_185 = arith.mulf %mul3A_174, %add3A_184 : vector<128x128xf32>
    %add3A_186 = arith.constant -5.000000e-01 : f32
    %add3A_187 = vector.broadcast %add3A_186 : f32 to vector<128x128xf32>
    %add3A_188 = arith.addf %add3A_187, %mul3A_185 : vector<128x128xf32>
    %mul3A_189 = arith.mulf %mul3A_174, %add3A_188 : vector<128x128xf32>
    %add3A_190 = arith.constant 1.000000e+00 : f32
    %add3A_191 = vector.broadcast %add3A_190 : f32 to vector<128x128xf32>
    %add3A_192 = arith.addf %add3A_191, %mul3A_189 : vector<128x128xf32>
    %slice3A_193 = vector.extract_strided_slice %get3A_1 {offsets = [0, 8], sizes = [128, 1], strides = [1, 1]} : vector<128x20xf32> to vector<128x1xf32>
    %mul3A_194 = vector.broadcast %slice3A_193 : vector<128x1xf32> to vector<128x128xf32>
    %mul3A_195 = vector.broadcast %div3A_11 : vector<1x128xf32> to vector<128x128xf32>
    %mul3A_196 = arith.mulf %mul3A_194, %mul3A_195 : vector<128x128xf32>
    %mul3A_197 = arith.mulf %mul3A_196, %mul3A_196 : vector<128x128xf32>
    %mul3A_198 = arith.constant 2.48015876E-5 : f32
    %mul3A_199 = vector.broadcast %mul3A_198 : f32 to vector<128x128xf32>
    %mul3A_200 = arith.mulf %mul3A_197, %mul3A_199 : vector<128x128xf32>
    %add3A_201 = arith.constant -0.00138888892 : f32
    %add3A_202 = vector.broadcast %add3A_201 : f32 to vector<128x128xf32>
    %add3A_203 = arith.addf %add3A_202, %mul3A_200 : vector<128x128xf32>
    %mul3A_204 = arith.mulf %mul3A_197, %add3A_203 : vector<128x128xf32>
    %add3A_205 = arith.constant 0.0416666679 : f32
    %add3A_206 = vector.broadcast %add3A_205 : f32 to vector<128x128xf32>
    %add3A_207 = arith.addf %add3A_206, %mul3A_204 : vector<128x128xf32>
    %mul3A_208 = arith.mulf %mul3A_197, %add3A_207 : vector<128x128xf32>
    %add3A_209 = arith.constant -5.000000e-01 : f32
    %add3A_210 = vector.broadcast %add3A_209 : f32 to vector<128x128xf32>
    %add3A_211 = arith.addf %add3A_210, %mul3A_208 : vector<128x128xf32>
    %mul3A_212 = arith.mulf %mul3A_197, %add3A_211 : vector<128x128xf32>
    %add3A_213 = arith.constant 1.000000e+00 : f32
    %add3A_214 = vector.broadcast %add3A_213 : f32 to vector<128x128xf32>
    %add3A_215 = arith.addf %add3A_214, %mul3A_212 : vector<128x128xf32>
    %slice3A_216 = vector.extract_strided_slice %get3A_1 {offsets = [0, 9], sizes = [128, 1], strides = [1, 1]} : vector<128x20xf32> to vector<128x1xf32>
    %mul3A_217 = vector.broadcast %slice3A_216 : vector<128x1xf32> to vector<128x128xf32>
    %mul3A_218 = vector.broadcast %div3A_11 : vector<1x128xf32> to vector<128x128xf32>
    %mul3A_219 = arith.mulf %mul3A_217, %mul3A_218 : vector<128x128xf32>
    %mul3A_220 = arith.mulf %mul3A_219, %mul3A_219 : vector<128x128xf32>
    %mul3A_221 = arith.constant 2.48015876E-5 : f32
    %mul3A_222 = vector.broadcast %mul3A_221 : f32 to vector<128x128xf32>
    %mul3A_223 = arith.mulf %mul3A_220, %mul3A_222 : vector<128x128xf32>
    %add3A_224 = arith.constant -0.00138888892 : f32
    %add3A_225 = vector.broadcast %add3A_224 : f32 to vector<128x128xf32>
    %add3A_226 = arith.addf %add3A_225, %mul3A_223 : vector<128x128xf32>
    %mul3A_227 = arith.mulf %mul3A_220, %add3A_226 : vector<128x128xf32>
    %add3A_228 = arith.constant 0.0416666679 : f32
    %add3A_229 = vector.broadcast %add3A_228 : f32 to vector<128x128xf32>
    %add3A_230 = arith.addf %add3A_229, %mul3A_227 : vector<128x128xf32>
    %mul3A_231 = arith.mulf %mul3A_220, %add3A_230 : vector<128x128xf32>
    %add3A_232 = arith.constant -5.000000e-01 : f32
    %add3A_233 = vector.broadcast %add3A_232 : f32 to vector<128x128xf32>
    %add3A_234 = arith.addf %add3A_233, %mul3A_231 : vector<128x128xf32>
    %mul3A_235 = arith.mulf %mul3A_220, %add3A_234 : vector<128x128xf32>
    %add3A_236 = arith.constant 1.000000e+00 : f32
    %add3A_237 = vector.broadcast %add3A_236 : f32 to vector<128x128xf32>
    %add3A_238 = arith.addf %add3A_237, %mul3A_235 : vector<128x128xf32>
    %slice3A_239 = vector.extract_strided_slice %get3A_1 {offsets = [0, 10], sizes = [128, 1], strides = [1, 1]} : vector<128x20xf32> to vector<128x1xf32>
    %mul3A_240 = vector.broadcast %slice3A_239 : vector<128x1xf32> to vector<128x128xf32>
    %mul3A_241 = vector.broadcast %div3A_11 : vector<1x128xf32> to vector<128x128xf32>
    %mul3A_242 = arith.mulf %mul3A_240, %mul3A_241 : vector<128x128xf32>
    %mul3A_243 = arith.mulf %mul3A_242, %mul3A_242 : vector<128x128xf32>
    %mul3A_244 = arith.constant 2.48015876E-5 : f32
    %mul3A_245 = vector.broadcast %mul3A_244 : f32 to vector<128x128xf32>
    %mul3A_246 = arith.mulf %mul3A_243, %mul3A_245 : vector<128x128xf32>
    %add3A_247 = arith.constant -0.00138888892 : f32
    %add3A_248 = vector.broadcast %add3A_247 : f32 to vector<128x128xf32>
    %add3A_249 = arith.addf %add3A_248, %mul3A_246 : vector<128x128xf32>
    %mul3A_250 = arith.mulf %mul3A_243, %add3A_249 : vector<128x128xf32>
    %add3A_251 = arith.constant 0.0416666679 : f32
    %add3A_252 = vector.broadcast %add3A_251 : f32 to vector<128x128xf32>
    %add3A_253 = arith.addf %add3A_252, %mul3A_250 : vector<128x128xf32>
    %mul3A_254 = arith.mulf %mul3A_243, %add3A_253 : vector<128x128xf32>
    %add3A_255 = arith.constant -5.000000e-01 : f32
    %add3A_256 = vector.broadcast %add3A_255 : f32 to vector<128x128xf32>
    %add3A_257 = arith.addf %add3A_256, %mul3A_254 : vector<128x128xf32>
    %mul3A_258 = arith.mulf %mul3A_243, %add3A_257 : vector<128x128xf32>
    %add3A_259 = arith.constant 1.000000e+00 : f32
    %add3A_260 = vector.broadcast %add3A_259 : f32 to vector<128x128xf32>
    %add3A_261 = arith.addf %add3A_260, %mul3A_258 : vector<128x128xf32>
    %slice3A_262 = vector.extract_strided_slice %get3A_1 {offsets = [0, 11], sizes = [128, 1], strides = [1, 1]} : vector<128x20xf32> to vector<128x1xf32>
    %mul3A_263 = vector.broadcast %slice3A_262 : vector<128x1xf32> to vector<128x128xf32>
    %mul3A_264 = vector.broadcast %div3A_11 : vector<1x128xf32> to vector<128x128xf32>
    %mul3A_265 = arith.mulf %mul3A_263, %mul3A_264 : vector<128x128xf32>
    %mul3A_266 = arith.mulf %mul3A_265, %mul3A_265 : vector<128x128xf32>
    %mul3A_267 = arith.constant 2.48015876E-5 : f32
    %mul3A_268 = vector.broadcast %mul3A_267 : f32 to vector<128x128xf32>
    %mul3A_269 = arith.mulf %mul3A_266, %mul3A_268 : vector<128x128xf32>
    %add3A_270 = arith.constant -0.00138888892 : f32
    %add3A_271 = vector.broadcast %add3A_270 : f32 to vector<128x128xf32>
    %add3A_272 = arith.addf %add3A_271, %mul3A_269 : vector<128x128xf32>
    %mul3A_273 = arith.mulf %mul3A_266, %add3A_272 : vector<128x128xf32>
    %add3A_274 = arith.constant 0.0416666679 : f32
    %add3A_275 = vector.broadcast %add3A_274 : f32 to vector<128x128xf32>
    %add3A_276 = arith.addf %add3A_275, %mul3A_273 : vector<128x128xf32>
    %mul3A_277 = arith.mulf %mul3A_266, %add3A_276 : vector<128x128xf32>
    %add3A_278 = arith.constant -5.000000e-01 : f32
    %add3A_279 = vector.broadcast %add3A_278 : f32 to vector<128x128xf32>
    %add3A_280 = arith.addf %add3A_279, %mul3A_277 : vector<128x128xf32>
    %mul3A_281 = arith.mulf %mul3A_266, %add3A_280 : vector<128x128xf32>
    %add3A_282 = arith.constant 1.000000e+00 : f32
    %add3A_283 = vector.broadcast %add3A_282 : f32 to vector<128x128xf32>
    %add3A_284 = arith.addf %add3A_283, %mul3A_281 : vector<128x128xf32>
    %slice3A_285 = vector.extract_strided_slice %get3A_1 {offsets = [0, 12], sizes = [128, 1], strides = [1, 1]} : vector<128x20xf32> to vector<128x1xf32>
    %mul3A_286 = vector.broadcast %slice3A_285 : vector<128x1xf32> to vector<128x128xf32>
    %mul3A_287 = vector.broadcast %div3A_11 : vector<1x128xf32> to vector<128x128xf32>
    %mul3A_288 = arith.mulf %mul3A_286, %mul3A_287 : vector<128x128xf32>
    %mul3A_289 = arith.mulf %mul3A_288, %mul3A_288 : vector<128x128xf32>
    %mul3A_290 = arith.constant 2.48015876E-5 : f32
    %mul3A_291 = vector.broadcast %mul3A_290 : f32 to vector<128x128xf32>
    %mul3A_292 = arith.mulf %mul3A_289, %mul3A_291 : vector<128x128xf32>
    %add3A_293 = arith.constant -0.00138888892 : f32
    %add3A_294 = vector.broadcast %add3A_293 : f32 to vector<128x128xf32>
    %add3A_295 = arith.addf %add3A_294, %mul3A_292 : vector<128x128xf32>
    %mul3A_296 = arith.mulf %mul3A_289, %add3A_295 : vector<128x128xf32>
    %add3A_297 = arith.constant 0.0416666679 : f32
    %add3A_298 = vector.broadcast %add3A_297 : f32 to vector<128x128xf32>
    %add3A_299 = arith.addf %add3A_298, %mul3A_296 : vector<128x128xf32>
    %mul3A_300 = arith.mulf %mul3A_289, %add3A_299 : vector<128x128xf32>
    %add3A_301 = arith.constant -5.000000e-01 : f32
    %add3A_302 = vector.broadcast %add3A_301 : f32 to vector<128x128xf32>
    %add3A_303 = arith.addf %add3A_302, %mul3A_300 : vector<128x128xf32>
    %mul3A_304 = arith.mulf %mul3A_289, %add3A_303 : vector<128x128xf32>
    %add3A_305 = arith.constant 1.000000e+00 : f32
    %add3A_306 = vector.broadcast %add3A_305 : f32 to vector<128x128xf32>
    %add3A_307 = arith.addf %add3A_306, %mul3A_304 : vector<128x128xf32>
    %slice3A_308 = vector.extract_strided_slice %get3A_1 {offsets = [0, 13], sizes = [128, 1], strides = [1, 1]} : vector<128x20xf32> to vector<128x1xf32>
    %mul3A_309 = vector.broadcast %slice3A_308 : vector<128x1xf32> to vector<128x128xf32>
    %mul3A_310 = vector.broadcast %div3A_11 : vector<1x128xf32> to vector<128x128xf32>
    %mul3A_311 = arith.mulf %mul3A_309, %mul3A_310 : vector<128x128xf32>
    %mul3A_312 = arith.mulf %mul3A_311, %mul3A_311 : vector<128x128xf32>
    %mul3A_313 = arith.constant 2.48015876E-5 : f32
    %mul3A_314 = vector.broadcast %mul3A_313 : f32 to vector<128x128xf32>
    %mul3A_315 = arith.mulf %mul3A_312, %mul3A_314 : vector<128x128xf32>
    %add3A_316 = arith.constant -0.00138888892 : f32
    %add3A_317 = vector.broadcast %add3A_316 : f32 to vector<128x128xf32>
    %add3A_318 = arith.addf %add3A_317, %mul3A_315 : vector<128x128xf32>
    %mul3A_319 = arith.mulf %mul3A_312, %add3A_318 : vector<128x128xf32>
    %add3A_320 = arith.constant 0.0416666679 : f32
    %add3A_321 = vector.broadcast %add3A_320 : f32 to vector<128x128xf32>
    %add3A_322 = arith.addf %add3A_321, %mul3A_319 : vector<128x128xf32>
    %mul3A_323 = arith.mulf %mul3A_312, %add3A_322 : vector<128x128xf32>
    %add3A_324 = arith.constant -5.000000e-01 : f32
    %add3A_325 = vector.broadcast %add3A_324 : f32 to vector<128x128xf32>
    %add3A_326 = arith.addf %add3A_325, %mul3A_323 : vector<128x128xf32>
    %mul3A_327 = arith.mulf %mul3A_312, %add3A_326 : vector<128x128xf32>
    %add3A_328 = arith.constant 1.000000e+00 : f32
    %add3A_329 = vector.broadcast %add3A_328 : f32 to vector<128x128xf32>
    %add3A_330 = arith.addf %add3A_329, %mul3A_327 : vector<128x128xf32>
    %slice3A_331 = vector.extract_strided_slice %get3A_1 {offsets = [0, 14], sizes = [128, 1], strides = [1, 1]} : vector<128x20xf32> to vector<128x1xf32>
    %mul3A_332 = vector.broadcast %slice3A_331 : vector<128x1xf32> to vector<128x128xf32>
    %mul3A_333 = vector.broadcast %div3A_11 : vector<1x128xf32> to vector<128x128xf32>
    %mul3A_334 = arith.mulf %mul3A_332, %mul3A_333 : vector<128x128xf32>
    %mul3A_335 = arith.mulf %mul3A_334, %mul3A_334 : vector<128x128xf32>
    %mul3A_336 = arith.constant 2.48015876E-5 : f32
    %mul3A_337 = vector.broadcast %mul3A_336 : f32 to vector<128x128xf32>
    %mul3A_338 = arith.mulf %mul3A_335, %mul3A_337 : vector<128x128xf32>
    %add3A_339 = arith.constant -0.00138888892 : f32
    %add3A_340 = vector.broadcast %add3A_339 : f32 to vector<128x128xf32>
    %add3A_341 = arith.addf %add3A_340, %mul3A_338 : vector<128x128xf32>
    %mul3A_342 = arith.mulf %mul3A_335, %add3A_341 : vector<128x128xf32>
    %add3A_343 = arith.constant 0.0416666679 : f32
    %add3A_344 = vector.broadcast %add3A_343 : f32 to vector<128x128xf32>
    %add3A_345 = arith.addf %add3A_344, %mul3A_342 : vector<128x128xf32>
    %mul3A_346 = arith.mulf %mul3A_335, %add3A_345 : vector<128x128xf32>
    %add3A_347 = arith.constant -5.000000e-01 : f32
    %add3A_348 = vector.broadcast %add3A_347 : f32 to vector<128x128xf32>
    %add3A_349 = arith.addf %add3A_348, %mul3A_346 : vector<128x128xf32>
    %mul3A_350 = arith.mulf %mul3A_335, %add3A_349 : vector<128x128xf32>
    %add3A_351 = arith.constant 1.000000e+00 : f32
    %add3A_352 = vector.broadcast %add3A_351 : f32 to vector<128x128xf32>
    %add3A_353 = arith.addf %add3A_352, %mul3A_350 : vector<128x128xf32>
    %slice3A_354 = vector.extract_strided_slice %get3A_1 {offsets = [0, 15], sizes = [128, 1], strides = [1, 1]} : vector<128x20xf32> to vector<128x1xf32>
    %mul3A_355 = vector.broadcast %slice3A_354 : vector<128x1xf32> to vector<128x128xf32>
    %mul3A_356 = vector.broadcast %div3A_11 : vector<1x128xf32> to vector<128x128xf32>
    %mul3A_357 = arith.mulf %mul3A_355, %mul3A_356 : vector<128x128xf32>
    %mul3A_358 = arith.mulf %mul3A_357, %mul3A_357 : vector<128x128xf32>
    %mul3A_359 = arith.constant 2.48015876E-5 : f32
    %mul3A_360 = vector.broadcast %mul3A_359 : f32 to vector<128x128xf32>
    %mul3A_361 = arith.mulf %mul3A_358, %mul3A_360 : vector<128x128xf32>
    %add3A_362 = arith.constant -0.00138888892 : f32
    %add3A_363 = vector.broadcast %add3A_362 : f32 to vector<128x128xf32>
    %add3A_364 = arith.addf %add3A_363, %mul3A_361 : vector<128x128xf32>
    %mul3A_365 = arith.mulf %mul3A_358, %add3A_364 : vector<128x128xf32>
    %add3A_366 = arith.constant 0.0416666679 : f32
    %add3A_367 = vector.broadcast %add3A_366 : f32 to vector<128x128xf32>
    %add3A_368 = arith.addf %add3A_367, %mul3A_365 : vector<128x128xf32>
    %mul3A_369 = arith.mulf %mul3A_358, %add3A_368 : vector<128x128xf32>
    %add3A_370 = arith.constant -5.000000e-01 : f32
    %add3A_371 = vector.broadcast %add3A_370 : f32 to vector<128x128xf32>
    %add3A_372 = arith.addf %add3A_371, %mul3A_369 : vector<128x128xf32>
    %mul3A_373 = arith.mulf %mul3A_358, %add3A_372 : vector<128x128xf32>
    %add3A_374 = arith.constant 1.000000e+00 : f32
    %add3A_375 = vector.broadcast %add3A_374 : f32 to vector<128x128xf32>
    %add3A_376 = arith.addf %add3A_375, %mul3A_373 : vector<128x128xf32>
    %slice3A_377 = vector.extract_strided_slice %get3A_1 {offsets = [0, 16], sizes = [128, 1], strides = [1, 1]} : vector<128x20xf32> to vector<128x1xf32>
    %mul3A_378 = vector.broadcast %slice3A_377 : vector<128x1xf32> to vector<128x128xf32>
    %mul3A_379 = vector.broadcast %div3A_11 : vector<1x128xf32> to vector<128x128xf32>
    %mul3A_380 = arith.mulf %mul3A_378, %mul3A_379 : vector<128x128xf32>
    %mul3A_381 = arith.mulf %mul3A_380, %mul3A_380 : vector<128x128xf32>
    %mul3A_382 = arith.constant 2.48015876E-5 : f32
    %mul3A_383 = vector.broadcast %mul3A_382 : f32 to vector<128x128xf32>
    %mul3A_384 = arith.mulf %mul3A_381, %mul3A_383 : vector<128x128xf32>
    %add3A_385 = arith.constant -0.00138888892 : f32
    %add3A_386 = vector.broadcast %add3A_385 : f32 to vector<128x128xf32>
    %add3A_387 = arith.addf %add3A_386, %mul3A_384 : vector<128x128xf32>
    %mul3A_388 = arith.mulf %mul3A_381, %add3A_387 : vector<128x128xf32>
    %add3A_389 = arith.constant 0.0416666679 : f32
    %add3A_390 = vector.broadcast %add3A_389 : f32 to vector<128x128xf32>
    %add3A_391 = arith.addf %add3A_390, %mul3A_388 : vector<128x128xf32>
    %mul3A_392 = arith.mulf %mul3A_381, %add3A_391 : vector<128x128xf32>
    %add3A_393 = arith.constant -5.000000e-01 : f32
    %add3A_394 = vector.broadcast %add3A_393 : f32 to vector<128x128xf32>
    %add3A_395 = arith.addf %add3A_394, %mul3A_392 : vector<128x128xf32>
    %mul3A_396 = arith.mulf %mul3A_381, %add3A_395 : vector<128x128xf32>
    %add3A_397 = arith.constant 1.000000e+00 : f32
    %add3A_398 = vector.broadcast %add3A_397 : f32 to vector<128x128xf32>
    %add3A_399 = arith.addf %add3A_398, %mul3A_396 : vector<128x128xf32>
    %slice3A_400 = vector.extract_strided_slice %get3A_1 {offsets = [0, 17], sizes = [128, 1], strides = [1, 1]} : vector<128x20xf32> to vector<128x1xf32>
    %mul3A_401 = vector.broadcast %slice3A_400 : vector<128x1xf32> to vector<128x128xf32>
    %mul3A_402 = vector.broadcast %div3A_11 : vector<1x128xf32> to vector<128x128xf32>
    %mul3A_403 = arith.mulf %mul3A_401, %mul3A_402 : vector<128x128xf32>
    %mul3A_404 = arith.mulf %mul3A_403, %mul3A_403 : vector<128x128xf32>
    %mul3A_405 = arith.constant 2.48015876E-5 : f32
    %mul3A_406 = vector.broadcast %mul3A_405 : f32 to vector<128x128xf32>
    %mul3A_407 = arith.mulf %mul3A_404, %mul3A_406 : vector<128x128xf32>
    %add3A_408 = arith.constant -0.00138888892 : f32
    %add3A_409 = vector.broadcast %add3A_408 : f32 to vector<128x128xf32>
    %add3A_410 = arith.addf %add3A_409, %mul3A_407 : vector<128x128xf32>
    %mul3A_411 = arith.mulf %mul3A_404, %add3A_410 : vector<128x128xf32>
    %add3A_412 = arith.constant 0.0416666679 : f32
    %add3A_413 = vector.broadcast %add3A_412 : f32 to vector<128x128xf32>
    %add3A_414 = arith.addf %add3A_413, %mul3A_411 : vector<128x128xf32>
    %mul3A_415 = arith.mulf %mul3A_404, %add3A_414 : vector<128x128xf32>
    %add3A_416 = arith.constant -5.000000e-01 : f32
    %add3A_417 = vector.broadcast %add3A_416 : f32 to vector<128x128xf32>
    %add3A_418 = arith.addf %add3A_417, %mul3A_415 : vector<128x128xf32>
    %mul3A_419 = arith.mulf %mul3A_404, %add3A_418 : vector<128x128xf32>
    %add3A_420 = arith.constant 1.000000e+00 : f32
    %add3A_421 = vector.broadcast %add3A_420 : f32 to vector<128x128xf32>
    %add3A_422 = arith.addf %add3A_421, %mul3A_419 : vector<128x128xf32>
    %slice3A_423 = vector.extract_strided_slice %get3A_1 {offsets = [0, 18], sizes = [128, 1], strides = [1, 1]} : vector<128x20xf32> to vector<128x1xf32>
    %mul3A_424 = vector.broadcast %slice3A_423 : vector<128x1xf32> to vector<128x128xf32>
    %mul3A_425 = vector.broadcast %div3A_11 : vector<1x128xf32> to vector<128x128xf32>
    %mul3A_426 = arith.mulf %mul3A_424, %mul3A_425 : vector<128x128xf32>
    %mul3A_427 = arith.mulf %mul3A_426, %mul3A_426 : vector<128x128xf32>
    %mul3A_428 = arith.constant 2.48015876E-5 : f32
    %mul3A_429 = vector.broadcast %mul3A_428 : f32 to vector<128x128xf32>
    %mul3A_430 = arith.mulf %mul3A_427, %mul3A_429 : vector<128x128xf32>
    %add3A_431 = arith.constant -0.00138888892 : f32
    %add3A_432 = vector.broadcast %add3A_431 : f32 to vector<128x128xf32>
    %add3A_433 = arith.addf %add3A_432, %mul3A_430 : vector<128x128xf32>
    %mul3A_434 = arith.mulf %mul3A_427, %add3A_433 : vector<128x128xf32>
    %add3A_435 = arith.constant 0.0416666679 : f32
    %add3A_436 = vector.broadcast %add3A_435 : f32 to vector<128x128xf32>
    %add3A_437 = arith.addf %add3A_436, %mul3A_434 : vector<128x128xf32>
    %mul3A_438 = arith.mulf %mul3A_427, %add3A_437 : vector<128x128xf32>
    %add3A_439 = arith.constant -5.000000e-01 : f32
    %add3A_440 = vector.broadcast %add3A_439 : f32 to vector<128x128xf32>
    %add3A_441 = arith.addf %add3A_440, %mul3A_438 : vector<128x128xf32>
    %mul3A_442 = arith.mulf %mul3A_427, %add3A_441 : vector<128x128xf32>
    %add3A_443 = arith.constant 1.000000e+00 : f32
    %add3A_444 = vector.broadcast %add3A_443 : f32 to vector<128x128xf32>
    %add3A_445 = arith.addf %add3A_444, %mul3A_442 : vector<128x128xf32>
    %slice3A_446 = vector.extract_strided_slice %get3A_1 {offsets = [0, 19], sizes = [128, 1], strides = [1, 1]} : vector<128x20xf32> to vector<128x1xf32>
    %mul3A_447 = vector.broadcast %slice3A_446 : vector<128x1xf32> to vector<128x128xf32>
    %mul3A_448 = vector.broadcast %div3A_11 : vector<1x128xf32> to vector<128x128xf32>
    %mul3A_449 = arith.mulf %mul3A_447, %mul3A_448 : vector<128x128xf32>
    %mul3A_450 = arith.mulf %mul3A_449, %mul3A_449 : vector<128x128xf32>
    %mul3A_451 = arith.constant 2.48015876E-5 : f32
    %mul3A_452 = vector.broadcast %mul3A_451 : f32 to vector<128x128xf32>
    %mul3A_453 = arith.mulf %mul3A_450, %mul3A_452 : vector<128x128xf32>
    %add3A_454 = arith.constant -0.00138888892 : f32
    %add3A_455 = vector.broadcast %add3A_454 : f32 to vector<128x128xf32>
    %add3A_456 = arith.addf %add3A_455, %mul3A_453 : vector<128x128xf32>
    %mul3A_457 = arith.mulf %mul3A_450, %add3A_456 : vector<128x128xf32>
    %add3A_458 = arith.constant 0.0416666679 : f32
    %add3A_459 = vector.broadcast %add3A_458 : f32 to vector<128x128xf32>
    %add3A_460 = arith.addf %add3A_459, %mul3A_457 : vector<128x128xf32>
    %mul3A_461 = arith.mulf %mul3A_450, %add3A_460 : vector<128x128xf32>
    %add3A_462 = arith.constant -5.000000e-01 : f32
    %add3A_463 = vector.broadcast %add3A_462 : f32 to vector<128x128xf32>
    %add3A_464 = arith.addf %add3A_463, %mul3A_461 : vector<128x128xf32>
    %mul3A_465 = arith.mulf %mul3A_450, %add3A_464 : vector<128x128xf32>
    %add3A_466 = arith.constant 1.000000e+00 : f32
    %add3A_467 = vector.broadcast %add3A_466 : f32 to vector<128x128xf32>
    %add3A_468 = arith.addf %add3A_467, %mul3A_465 : vector<128x128xf32>
    %concatenate3A = tpu.concatenate %add3A_31, %add3A_54, %add3A_77, %add3A_100, %add3A_123, %add3A_146, %add3A_169, %add3A_192, %add3A_215, %add3A_238, %add3A_261, %add3A_284, %add3A_307, %add3A_330, %add3A_353, %add3A_376, %add3A_399, %add3A_422, %add3A_445, %add3A_468 in 0 : vector<128x128xf32>, vector<128x128xf32>, vector<128x128xf32>, vector<128x128xf32>, vector<128x128xf32>, vector<128x128xf32>, vector<128x128xf32>, vector<128x128xf32>, vector<128x128xf32>, vector<128x128xf32>, vector<128x128xf32>, vector<128x128xf32>, vector<128x128xf32>, vector<128x128xf32>, vector<128x128xf32>, vector<128x128xf32>, vector<128x128xf32>, vector<128x128xf32>, vector<128x128xf32>, vector<128x128xf32> -> vector<2560x128xf32>
    %get3A_469 = arith.constant 0 : index
    %get3A_470 = arith.constant 0 : index
    %get3A_471 = arith.constant 0 : index
    %get3A_472 = vector.load %arg1[%get3A_469, %get3A_470, %get3A_471] : memref<20x128x128xf32, #tpu.memory_space<vmem>>, vector<20x128x128xf32>
    %reshape3A = vector.shape_cast %get3A_472 : vector<20x128x128xf32> to vector<2560x128xf32>
    %get3A_473 = arith.constant 0 : index
    %get3A_474 = arith.constant 0 : index
    %get3A_475 = vector.load %arg8[%get3A_473, %get3A_474] : memref<256x128xf32, #tpu.memory_space<vmem>>, vector<256x128xf32>
    %slice3A_476 = vector.extract_strided_slice %get3A_475 {offsets = [0, 0], sizes = [128, 128], strides = [1, 1]} : vector<256x128xf32> to vector<128x128xf32>
    %dot_general3A = arith.constant dense<0.000000e+00> : vector<2560x128xf32>
    %dot_general3A_477 = tpu.matmul %reshape3A, %slice3A_476, %dot_general3A {dimension_numbers = #tpu.dot_dimension_numbers<[1], [0], [0], [1], [0, 0, 1, 1], [], []>, transpose_lhs_hint = false} : vector<2560x128xf32>, vector<128x128xf32>, vector<2560x128xf32> -> vector<2560x128xf32>
    %slice3A_478 = vector.extract_strided_slice %get3A_475 {offsets = [128, 0], sizes = [128, 128], strides = [1, 1]} : vector<256x128xf32> to vector<128x128xf32>
    %dot_general3A_479 = arith.constant dense<0.000000e+00> : vector<2560x128xf32>
    %dot_general3A_480 = tpu.matmul %concatenate3A, %slice3A_478, %dot_general3A_479 {dimension_numbers = #tpu.dot_dimension_numbers<[1], [0], [0], [1], [0, 0, 1, 1], [], []>, transpose_lhs_hint = false} : vector<2560x128xf32>, vector<128x128xf32>, vector<2560x128xf32> -> vector<2560x128xf32>
    %add3A_481 = arith.addf %dot_general3A_477, %dot_general3A_480 : vector<2560x128xf32>
    %tanh3A = math.tanh %add3A_481 : vector<2560x128xf32>
    %slice3A_482 = vector.extract_strided_slice %get3A_4 {offsets = [0, 0], sizes = [128, 1], strides = [1, 1]} : vector<128x20xf32> to vector<128x1xf32>
    %slice3A_483 = vector.extract_strided_slice %tanh3A {offsets = [0, 0], sizes = [128, 128], strides = [1, 1]} : vector<2560x128xf32> to vector<128x128xf32>
    %mul3A_484 = vector.broadcast %slice3A_482 : vector<128x1xf32> to vector<128x128xf32>
    %mul3A_485 = arith.mulf %mul3A_484, %slice3A_483 : vector<128x128xf32>
    %slice3A_486 = vector.extract_strided_slice %get3A_4 {offsets = [0, 1], sizes = [128, 1], strides = [1, 1]} : vector<128x20xf32> to vector<128x1xf32>
    %slice3A_487 = vector.extract_strided_slice %tanh3A {offsets = [128, 0], sizes = [128, 128], strides = [1, 1]} : vector<2560x128xf32> to vector<128x128xf32>
    %mul3A_488 = vector.broadcast %slice3A_486 : vector<128x1xf32> to vector<128x128xf32>
    %mul3A_489 = arith.mulf %mul3A_488, %slice3A_487 : vector<128x128xf32>
    %slice3A_490 = vector.extract_strided_slice %get3A_4 {offsets = [0, 2], sizes = [128, 1], strides = [1, 1]} : vector<128x20xf32> to vector<128x1xf32>
    %slice3A_491 = vector.extract_strided_slice %tanh3A {offsets = [256, 0], sizes = [128, 128], strides = [1, 1]} : vector<2560x128xf32> to vector<128x128xf32>
    %mul3A_492 = vector.broadcast %slice3A_490 : vector<128x1xf32> to vector<128x128xf32>
    %mul3A_493 = arith.mulf %mul3A_492, %slice3A_491 : vector<128x128xf32>
    %slice3A_494 = vector.extract_strided_slice %get3A_4 {offsets = [0, 3], sizes = [128, 1], strides = [1, 1]} : vector<128x20xf32> to vector<128x1xf32>
    %slice3A_495 = vector.extract_strided_slice %tanh3A {offsets = [384, 0], sizes = [128, 128], strides = [1, 1]} : vector<2560x128xf32> to vector<128x128xf32>
    %mul3A_496 = vector.broadcast %slice3A_494 : vector<128x1xf32> to vector<128x128xf32>
    %mul3A_497 = arith.mulf %mul3A_496, %slice3A_495 : vector<128x128xf32>
    %slice3A_498 = vector.extract_strided_slice %get3A_4 {offsets = [0, 4], sizes = [128, 1], strides = [1, 1]} : vector<128x20xf32> to vector<128x1xf32>
    %slice3A_499 = vector.extract_strided_slice %tanh3A {offsets = [512, 0], sizes = [128, 128], strides = [1, 1]} : vector<2560x128xf32> to vector<128x128xf32>
    %mul3A_500 = vector.broadcast %slice3A_498 : vector<128x1xf32> to vector<128x128xf32>
    %mul3A_501 = arith.mulf %mul3A_500, %slice3A_499 : vector<128x128xf32>
    %slice3A_502 = vector.extract_strided_slice %get3A_4 {offsets = [0, 5], sizes = [128, 1], strides = [1, 1]} : vector<128x20xf32> to vector<128x1xf32>
    %slice3A_503 = vector.extract_strided_slice %tanh3A {offsets = [640, 0], sizes = [128, 128], strides = [1, 1]} : vector<2560x128xf32> to vector<128x128xf32>
    %mul3A_504 = vector.broadcast %slice3A_502 : vector<128x1xf32> to vector<128x128xf32>
    %mul3A_505 = arith.mulf %mul3A_504, %slice3A_503 : vector<128x128xf32>
    %slice3A_506 = vector.extract_strided_slice %get3A_4 {offsets = [0, 6], sizes = [128, 1], strides = [1, 1]} : vector<128x20xf32> to vector<128x1xf32>
    %slice3A_507 = vector.extract_strided_slice %tanh3A {offsets = [768, 0], sizes = [128, 128], strides = [1, 1]} : vector<2560x128xf32> to vector<128x128xf32>
    %mul3A_508 = vector.broadcast %slice3A_506 : vector<128x1xf32> to vector<128x128xf32>
    %mul3A_509 = arith.mulf %mul3A_508, %slice3A_507 : vector<128x128xf32>
    %slice3A_510 = vector.extract_strided_slice %get3A_4 {offsets = [0, 7], sizes = [128, 1], strides = [1, 1]} : vector<128x20xf32> to vector<128x1xf32>
    %slice3A_511 = vector.extract_strided_slice %tanh3A {offsets = [896, 0], sizes = [128, 128], strides = [1, 1]} : vector<2560x128xf32> to vector<128x128xf32>
    %mul3A_512 = vector.broadcast %slice3A_510 : vector<128x1xf32> to vector<128x128xf32>
    %mul3A_513 = arith.mulf %mul3A_512, %slice3A_511 : vector<128x128xf32>
    %slice3A_514 = vector.extract_strided_slice %get3A_4 {offsets = [0, 8], sizes = [128, 1], strides = [1, 1]} : vector<128x20xf32> to vector<128x1xf32>
    %slice3A_515 = vector.extract_strided_slice %tanh3A {offsets = [1024, 0], sizes = [128, 128], strides = [1, 1]} : vector<2560x128xf32> to vector<128x128xf32>
    %mul3A_516 = vector.broadcast %slice3A_514 : vector<128x1xf32> to vector<128x128xf32>
    %mul3A_517 = arith.mulf %mul3A_516, %slice3A_515 : vector<128x128xf32>
    %slice3A_518 = vector.extract_strided_slice %get3A_4 {offsets = [0, 9], sizes = [128, 1], strides = [1, 1]} : vector<128x20xf32> to vector<128x1xf32>
    %slice3A_519 = vector.extract_strided_slice %tanh3A {offsets = [1152, 0], sizes = [128, 128], strides = [1, 1]} : vector<2560x128xf32> to vector<128x128xf32>
    %mul3A_520 = vector.broadcast %slice3A_518 : vector<128x1xf32> to vector<128x128xf32>
    %mul3A_521 = arith.mulf %mul3A_520, %slice3A_519 : vector<128x128xf32>
    %slice3A_522 = vector.extract_strided_slice %get3A_4 {offsets = [0, 10], sizes = [128, 1], strides = [1, 1]} : vector<128x20xf32> to vector<128x1xf32>
    %slice3A_523 = vector.extract_strided_slice %tanh3A {offsets = [1280, 0], sizes = [128, 128], strides = [1, 1]} : vector<2560x128xf32> to vector<128x128xf32>
    %mul3A_524 = vector.broadcast %slice3A_522 : vector<128x1xf32> to vector<128x128xf32>
    %mul3A_525 = arith.mulf %mul3A_524, %slice3A_523 : vector<128x128xf32>
    %slice3A_526 = vector.extract_strided_slice %get3A_4 {offsets = [0, 11], sizes = [128, 1], strides = [1, 1]} : vector<128x20xf32> to vector<128x1xf32>
    %slice3A_527 = vector.extract_strided_slice %tanh3A {offsets = [1408, 0], sizes = [128, 128], strides = [1, 1]} : vector<2560x128xf32> to vector<128x128xf32>
    %mul3A_528 = vector.broadcast %slice3A_526 : vector<128x1xf32> to vector<128x128xf32>
    %mul3A_529 = arith.mulf %mul3A_528, %slice3A_527 : vector<128x128xf32>
    %slice3A_530 = vector.extract_strided_slice %get3A_4 {offsets = [0, 12], sizes = [128, 1], strides = [1, 1]} : vector<128x20xf32> to vector<128x1xf32>
    %slice3A_531 = vector.extract_strided_slice %tanh3A {offsets = [1536, 0], sizes = [128, 128], strides = [1, 1]} : vector<2560x128xf32> to vector<128x128xf32>
    %mul3A_532 = vector.broadcast %slice3A_530 : vector<128x1xf32> to vector<128x128xf32>
    %mul3A_533 = arith.mulf %mul3A_532, %slice3A_531 : vector<128x128xf32>
    %slice3A_534 = vector.extract_strided_slice %get3A_4 {offsets = [0, 13], sizes = [128, 1], strides = [1, 1]} : vector<128x20xf32> to vector<128x1xf32>
    %slice3A_535 = vector.extract_strided_slice %tanh3A {offsets = [1664, 0], sizes = [128, 128], strides = [1, 1]} : vector<2560x128xf32> to vector<128x128xf32>
    %mul3A_536 = vector.broadcast %slice3A_534 : vector<128x1xf32> to vector<128x128xf32>
    %mul3A_537 = arith.mulf %mul3A_536, %slice3A_535 : vector<128x128xf32>
    %slice3A_538 = vector.extract_strided_slice %get3A_4 {offsets = [0, 14], sizes = [128, 1], strides = [1, 1]} : vector<128x20xf32> to vector<128x1xf32>
    %slice3A_539 = vector.extract_strided_slice %tanh3A {offsets = [1792, 0], sizes = [128, 128], strides = [1, 1]} : vector<2560x128xf32> to vector<128x128xf32>
    %mul3A_540 = vector.broadcast %slice3A_538 : vector<128x1xf32> to vector<128x128xf32>
    %mul3A_541 = arith.mulf %mul3A_540, %slice3A_539 : vector<128x128xf32>
    %slice3A_542 = vector.extract_strided_slice %get3A_4 {offsets = [0, 15], sizes = [128, 1], strides = [1, 1]} : vector<128x20xf32> to vector<128x1xf32>
    %slice3A_543 = vector.extract_strided_slice %tanh3A {offsets = [1920, 0], sizes = [128, 128], strides = [1, 1]} : vector<2560x128xf32> to vector<128x128xf32>
    %mul3A_544 = vector.broadcast %slice3A_542 : vector<128x1xf32> to vector<128x128xf32>
    %mul3A_545 = arith.mulf %mul3A_544, %slice3A_543 : vector<128x128xf32>
    %slice3A_546 = vector.extract_strided_slice %get3A_4 {offsets = [0, 16], sizes = [128, 1], strides = [1, 1]} : vector<128x20xf32> to vector<128x1xf32>
    %slice3A_547 = vector.extract_strided_slice %tanh3A {offsets = [2048, 0], sizes = [128, 128], strides = [1, 1]} : vector<2560x128xf32> to vector<128x128xf32>
    %mul3A_548 = vector.broadcast %slice3A_546 : vector<128x1xf32> to vector<128x128xf32>
    %mul3A_549 = arith.mulf %mul3A_548, %slice3A_547 : vector<128x128xf32>
    %slice3A_550 = vector.extract_strided_slice %get3A_4 {offsets = [0, 17], sizes = [128, 1], strides = [1, 1]} : vector<128x20xf32> to vector<128x1xf32>
    %slice3A_551 = vector.extract_strided_slice %tanh3A {offsets = [2176, 0], sizes = [128, 128], strides = [1, 1]} : vector<2560x128xf32> to vector<128x128xf32>
    %mul3A_552 = vector.broadcast %slice3A_550 : vector<128x1xf32> to vector<128x128xf32>
    %mul3A_553 = arith.mulf %mul3A_552, %slice3A_551 : vector<128x128xf32>
    %slice3A_554 = vector.extract_strided_slice %get3A_4 {offsets = [0, 18], sizes = [128, 1], strides = [1, 1]} : vector<128x20xf32> to vector<128x1xf32>
    %slice3A_555 = vector.extract_strided_slice %tanh3A {offsets = [2304, 0], sizes = [128, 128], strides = [1, 1]} : vector<2560x128xf32> to vector<128x128xf32>
    %mul3A_556 = vector.broadcast %slice3A_554 : vector<128x1xf32> to vector<128x128xf32>
    %mul3A_557 = arith.mulf %mul3A_556, %slice3A_555 : vector<128x128xf32>
    %slice3A_558 = vector.extract_strided_slice %get3A_4 {offsets = [0, 19], sizes = [128, 1], strides = [1, 1]} : vector<128x20xf32> to vector<128x1xf32>
    %slice3A_559 = vector.extract_strided_slice %tanh3A {offsets = [2432, 0], sizes = [128, 128], strides = [1, 1]} : vector<2560x128xf32> to vector<128x128xf32>
    %mul3A_560 = vector.broadcast %slice3A_558 : vector<128x1xf32> to vector<128x128xf32>
    %mul3A_561 = arith.mulf %mul3A_560, %slice3A_559 : vector<128x128xf32>
    %add3A_562 = arith.addf %mul3A_485, %mul3A_489 : vector<128x128xf32>
    %add3A_563 = arith.addf %mul3A_493, %mul3A_497 : vector<128x128xf32>
    %add3A_564 = arith.addf %mul3A_501, %mul3A_505 : vector<128x128xf32>
    %add3A_565 = arith.addf %mul3A_509, %mul3A_513 : vector<128x128xf32>
    %add3A_566 = arith.addf %mul3A_517, %mul3A_521 : vector<128x128xf32>
    %add3A_567 = arith.addf %mul3A_525, %mul3A_529 : vector<128x128xf32>
    %add3A_568 = arith.addf %mul3A_533, %mul3A_537 : vector<128x128xf32>
    %add3A_569 = arith.addf %mul3A_541, %mul3A_545 : vector<128x128xf32>
    %add3A_570 = arith.addf %mul3A_549, %mul3A_553 : vector<128x128xf32>
    %add3A_571 = arith.addf %mul3A_557, %mul3A_561 : vector<128x128xf32>
    %add3A_572 = arith.addf %add3A_562, %add3A_563 : vector<128x128xf32>
    %add3A_573 = arith.addf %add3A_564, %add3A_565 : vector<128x128xf32>
    %add3A_574 = arith.addf %add3A_566, %add3A_567 : vector<128x128xf32>
    %add3A_575 = arith.addf %add3A_568, %add3A_569 : vector<128x128xf32>
    %add3A_576 = arith.addf %add3A_570, %add3A_571 : vector<128x128xf32>
    %add3A_577 = arith.addf %add3A_572, %add3A_573 : vector<128x128xf32>
    %add3A_578 = arith.addf %add3A_574, %add3A_575 : vector<128x128xf32>
    %add3A_579 = arith.addf %add3A_577, %add3A_578 : vector<128x128xf32>
    %add3A_580 = arith.addf %add3A_579, %add3A_576 : vector<128x128xf32>
    %reduce_sum3A = arith.constant dense<0.000000e+00> : vector<128xf32>
    %reduce_sum3A_581 = vector.multi_reduction <add>, %get3A_4, %reduce_sum3A [1] : vector<128x20xf32> to vector<128xf32>
    %broadcast_in_dim3A = vector.shape_cast %reduce_sum3A_581 : vector<128xf32> to vector<128x1xf32>
    %add3A_582 = arith.constant 1.000000e-07 : f32
    %add3A_583 = vector.broadcast %add3A_582 : f32 to vector<128x1xf32>
    %add3A_584 = arith.addf %broadcast_in_dim3A, %add3A_583 : vector<128x1xf32>
    %div3A_585 = vector.broadcast %add3A_584 : vector<128x1xf32> to vector<128x128xf32>
    %div3A_586 = arith.divf %add3A_580, %div3A_585 : vector<128x128xf32>
    %get3A_587 = arith.constant 0 : index
    %get3A_588 = arith.constant 0 : index
    %get3A_589 = vector.load %arg10[%get3A_587, %get3A_588] : memref<128x128xf32, #tpu.memory_space<vmem>>, vector<128x128xf32>
    %dot_general3A_590 = arith.constant dense<0.000000e+00> : vector<128x128xf32>
    %dot_general3A_591 = tpu.matmul %div3A_586, %get3A_589, %dot_general3A_590 {dimension_numbers = #tpu.dot_dimension_numbers<[1], [0], [0], [1], [0, 0, 1, 1], [], []>, transpose_lhs_hint = false} : vector<128x128xf32>, vector<128x128xf32>, vector<128x128xf32> -> vector<128x128xf32>
    %get3A_592 = arith.constant 0 : index
    %get3A_593 = arith.constant 0 : index
    %get3A_594 = vector.load %arg11[%get3A_592, %get3A_593] : memref<1x128xf32, #tpu.memory_space<vmem>>, vector<1x128xf32>
    %add3A_595 = vector.broadcast %get3A_594 : vector<1x128xf32> to vector<128x128xf32>
    %add3A_596 = arith.addf %dot_general3A_591, %add3A_595 : vector<128x128xf32>
    %get3A_597 = arith.constant 0 : index
    %get3A_598 = arith.constant 0 : index
    %get3A_599 = vector.load %arg5[%get3A_597, %get3A_598] : memref<128x8xi32, #tpu.memory_space<vmem>>, vector<128x8xi32>
    %ne3A = arith.constant 0 : i32
    %ne3A_600 = vector.broadcast %ne3A : i32 to vector<128x8xi32>
    %ne3A_601 = arith.cmpi ne, %get3A_599, %ne3A_600 : vector<128x8xi32>
    %convert_element_type3A_602 = arith.extui %ne3A_601 : vector<128x8xi1> to vector<128x8xi32>
    %convert_element_type3A_603 = arith.sitofp %convert_element_type3A_602 : vector<128x8xi32> to vector<128x8xf32>
    %get3A_604 = arith.constant 0 : index
    %get3A_605 = arith.constant 0 : index
    %get3A_606 = arith.constant 0 : index
    %get3A_607 = vector.load %arg2[%get3A_604, %get3A_605, %get3A_606] : memref<8x128x128xf32, #tpu.memory_space<vmem>>, vector<8x128x128xf32>
    %reshape3A_608 = vector.shape_cast %get3A_607 : vector<8x128x128xf32> to vector<1024x128xf32>
    %get3A_609 = arith.constant 0 : index
    %get3A_610 = arith.constant 0 : index
    %get3A_611 = vector.load %arg9[%get3A_609, %get3A_610] : memref<128x128xf32, #tpu.memory_space<vmem>>, vector<128x128xf32>
    %dot_general3A_612 = arith.constant dense<0.000000e+00> : vector<1024x128xf32>
    %dot_general3A_613 = tpu.matmul %reshape3A_608, %get3A_611, %dot_general3A_612 {dimension_numbers = #tpu.dot_dimension_numbers<[1], [0], [0], [1], [0, 0, 1, 1], [], []>, transpose_lhs_hint = false} : vector<1024x128xf32>, vector<128x128xf32>, vector<1024x128xf32> -> vector<1024x128xf32>
    %concatenate3A_614 = tpu.concatenate %add3A_596, %add3A_596, %add3A_596, %add3A_596, %add3A_596, %add3A_596, %add3A_596, %add3A_596 in 0 : vector<128x128xf32>, vector<128x128xf32>, vector<128x128xf32>, vector<128x128xf32>, vector<128x128xf32>, vector<128x128xf32>, vector<128x128xf32>, vector<128x128xf32> -> vector<1024x128xf32>
    %add3A_615 = arith.addf %dot_general3A_613, %concatenate3A_614 : vector<1024x128xf32>
    %tanh3A_616 = math.tanh %add3A_615 : vector<1024x128xf32>
    %slice3A_617 = vector.extract_strided_slice %tanh3A_616 {offsets = [0, 0], sizes = [128, 128], strides = [1, 1]} : vector<1024x128xf32> to vector<128x128xf32>
    %swap3A = arith.constant 0 : index
    %swap3A_618 = arith.constant 0 : index
    %swap3A_619 = arith.constant 0 : index
    %swap3A_620 = vector.load %arg24[%swap3A, %swap3A_618, %swap3A_619] : memref<128x8x128xf32, #tpu.memory_space<vmem>>, vector<128x1x128xf32>
    %swap3A_621 = vector.shape_cast %swap3A_620 : vector<128x1x128xf32> to vector<128x128xf32>
    %swap3A_622 = vector.shape_cast %slice3A_617 : vector<128x128xf32> to vector<128x1x128xf32>
    tpu.vector_store %arg24[%swap3A, %swap3A_618, %swap3A_619], %swap3A_622 {strides = array<i32>} : memref<128x8x128xf32, #tpu.memory_space<vmem>>, vector<128x1x128xf32>,
    %slice3A_623 = vector.extract_strided_slice %tanh3A_616 {offsets = [128, 0], sizes = [128, 128], strides = [1, 1]} : vector<1024x128xf32> to vector<128x128xf32>
    %swap3A_624 = arith.constant 0 : index
    %swap3A_625 = arith.constant 1 : index
    %swap3A_626 = arith.constant 0 : index
    %swap3A_627 = vector.load %arg24[%swap3A_624, %swap3A_625, %swap3A_626] : memref<128x8x128xf32, #tpu.memory_space<vmem>>, vector<128x1x128xf32>
    %swap3A_628 = vector.shape_cast %swap3A_627 : vector<128x1x128xf32> to vector<128x128xf32>
    %swap3A_629 = vector.shape_cast %slice3A_623 : vector<128x128xf32> to vector<128x1x128xf32>
    tpu.vector_store %arg24[%swap3A_624, %swap3A_625, %swap3A_626], %swap3A_629 {strides = array<i32>} : memref<128x8x128xf32, #tpu.memory_space<vmem>>, vector<128x1x128xf32>,
    %slice3A_630 = vector.extract_strided_slice %tanh3A_616 {offsets = [256, 0], sizes = [128, 128], strides = [1, 1]} : vector<1024x128xf32> to vector<128x128xf32>
    %swap3A_631 = arith.constant 0 : index
    %swap3A_632 = arith.constant 2 : index
    %swap3A_633 = arith.constant 0 : index
    %swap3A_634 = vector.load %arg24[%swap3A_631, %swap3A_632, %swap3A_633] : memref<128x8x128xf32, #tpu.memory_space<vmem>>, vector<128x1x128xf32>
    %swap3A_635 = vector.shape_cast %swap3A_634 : vector<128x1x128xf32> to vector<128x128xf32>
    %swap3A_636 = vector.shape_cast %slice3A_630 : vector<128x128xf32> to vector<128x1x128xf32>
    tpu.vector_store %arg24[%swap3A_631, %swap3A_632, %swap3A_633], %swap3A_636 {strides = array<i32>} : memref<128x8x128xf32, #tpu.memory_space<vmem>>, vector<128x1x128xf32>,
    %slice3A_637 = vector.extract_strided_slice %tanh3A_616 {offsets = [384, 0], sizes = [128, 128], strides = [1, 1]} : vector<1024x128xf32> to vector<128x128xf32>
    %swap3A_638 = arith.constant 0 : index
    %swap3A_639 = arith.constant 3 : index
    %swap3A_640 = arith.constant 0 : index
    %swap3A_641 = vector.load %arg24[%swap3A_638, %swap3A_639, %swap3A_640] : memref<128x8x128xf32, #tpu.memory_space<vmem>>, vector<128x1x128xf32>
    %swap3A_642 = vector.shape_cast %swap3A_641 : vector<128x1x128xf32> to vector<128x128xf32>
    %swap3A_643 = vector.shape_cast %slice3A_637 : vector<128x128xf32> to vector<128x1x128xf32>
    tpu.vector_store %arg24[%swap3A_638, %swap3A_639, %swap3A_640], %swap3A_643 {strides = array<i32>} : memref<128x8x128xf32, #tpu.memory_space<vmem>>, vector<128x1x128xf32>,
    %slice3A_644 = vector.extract_strided_slice %tanh3A_616 {offsets = [512, 0], sizes = [128, 128], strides = [1, 1]} : vector<1024x128xf32> to vector<128x128xf32>
    %swap3A_645 = arith.constant 0 : index
    %swap3A_646 = arith.constant 4 : index
    %swap3A_647 = arith.constant 0 : index
    %swap3A_648 = vector.load %arg24[%swap3A_645, %swap3A_646, %swap3A_647] : memref<128x8x128xf32, #tpu.memory_space<vmem>>, vector<128x1x128xf32>
    %swap3A_649 = vector.shape_cast %swap3A_648 : vector<128x1x128xf32> to vector<128x128xf32>
    %swap3A_650 = vector.shape_cast %slice3A_644 : vector<128x128xf32> to vector<128x1x128xf32>
    tpu.vector_store %arg24[%swap3A_645, %swap3A_646, %swap3A_647], %swap3A_650 {strides = array<i32>} : memref<128x8x128xf32, #tpu.memory_space<vmem>>, vector<128x1x128xf32>,
    %slice3A_651 = vector.extract_strided_slice %tanh3A_616 {offsets = [640, 0], sizes = [128, 128], strides = [1, 1]} : vector<1024x128xf32> to vector<128x128xf32>
    %swap3A_652 = arith.constant 0 : index
    %swap3A_653 = arith.constant 5 : index
    %swap3A_654 = arith.constant 0 : index
    %swap3A_655 = vector.load %arg24[%swap3A_652, %swap3A_653, %swap3A_654] : memref<128x8x128xf32, #tpu.memory_space<vmem>>, vector<128x1x128xf32>
    %swap3A_656 = vector.shape_cast %swap3A_655 : vector<128x1x128xf32> to vector<128x128xf32>
    %swap3A_657 = vector.shape_cast %slice3A_651 : vector<128x128xf32> to vector<128x1x128xf32>
    tpu.vector_store %arg24[%swap3A_652, %swap3A_653, %swap3A_654], %swap3A_657 {strides = array<i32>} : memref<128x8x128xf32, #tpu.memory_space<vmem>>, vector<128x1x128xf32>,
    %slice3A_658 = vector.extract_strided_slice %tanh3A_616 {offsets = [768, 0], sizes = [128, 128], strides = [1, 1]} : vector<1024x128xf32> to vector<128x128xf32>
    %swap3A_659 = arith.constant 0 : index
    %swap3A_660 = arith.constant 6 : index
    %swap3A_661 = arith.constant 0 : index
    %swap3A_662 = vector.load %arg24[%swap3A_659, %swap3A_660, %swap3A_661] : memref<128x8x128xf32, #tpu.memory_space<vmem>>, vector<128x1x128xf32>
    %swap3A_663 = vector.shape_cast %swap3A_662 : vector<128x1x128xf32> to vector<128x128xf32>
    %swap3A_664 = vector.shape_cast %slice3A_658 : vector<128x128xf32> to vector<128x1x128xf32>
    tpu.vector_store %arg24[%swap3A_659, %swap3A_660, %swap3A_661], %swap3A_664 {strides = array<i32>} : memref<128x8x128xf32, #tpu.memory_space<vmem>>, vector<128x1x128xf32>,
    %slice3A_665 = vector.extract_strided_slice %tanh3A_616 {offsets = [896, 0], sizes = [128, 128], strides = [1, 1]} : vector<1024x128xf32> to vector<128x128xf32>
    %swap3A_666 = arith.constant 0 : index
    %swap3A_667 = arith.constant 7 : index
    %swap3A_668 = arith.constant 0 : index
    %swap3A_669 = vector.load %arg24[%swap3A_666, %swap3A_667, %swap3A_668] : memref<128x8x128xf32, #tpu.memory_space<vmem>>, vector<128x1x128xf32>
    %swap3A_670 = vector.shape_cast %swap3A_669 : vector<128x1x128xf32> to vector<128x128xf32>
    %swap3A_671 = vector.shape_cast %slice3A_665 : vector<128x128xf32> to vector<128x1x128xf32>
    tpu.vector_store %arg24[%swap3A_666, %swap3A_667, %swap3A_668], %swap3A_671 {strides = array<i32>} : memref<128x8x128xf32, #tpu.memory_space<vmem>>, vector<128x1x128xf32>,
    %get3A_672 = arith.constant 0 : index
    %get3A_673 = arith.constant 0 : index
    %get3A_674 = vector.load %arg12[%get3A_672, %get3A_673] : memref<128x128xf32, #tpu.memory_space<vmem>>, vector<128x128xf32>
    %dot_general3A_675 = arith.constant dense<0.000000e+00> : vector<1024x128xf32>
    %dot_general3A_676 = tpu.matmul %tanh3A_616, %get3A_674, %dot_general3A_675 {dimension_numbers = #tpu.dot_dimension_numbers<[1], [0], [0], [1], [0, 0, 1, 1], [], []>, transpose_lhs_hint = false} : vector<1024x128xf32>, vector<128x128xf32>, vector<1024x128xf32> -> vector<1024x128xf32>
    %get3A_677 = arith.constant 0 : index
    %get3A_678 = arith.constant 0 : index
    %get3A_679 = vector.load %arg13[%get3A_677, %get3A_678] : memref<128x128xf32, #tpu.memory_space<vmem>>, vector<128x128xf32>
    %dot_general3A_680 = arith.constant dense<0.000000e+00> : vector<1024x128xf32>
    %dot_general3A_681 = tpu.matmul %tanh3A_616, %get3A_679, %dot_general3A_680 {dimension_numbers = #tpu.dot_dimension_numbers<[1], [0], [0], [1], [0, 0, 1, 1], [], []>, transpose_lhs_hint = false} : vector<1024x128xf32>, vector<128x128xf32>, vector<1024x128xf32> -> vector<1024x128xf32>
    %get3A_682 = arith.constant 0 : index
    %get3A_683 = arith.constant 0 : index
    %get3A_684 = vector.load %arg14[%get3A_682, %get3A_683] : memref<128x128xf32, #tpu.memory_space<vmem>>, vector<128x128xf32>
    %dot_general3A_685 = arith.constant dense<0.000000e+00> : vector<1024x128xf32>
    %dot_general3A_686 = tpu.matmul %tanh3A_616, %get3A_684, %dot_general3A_685 {dimension_numbers = #tpu.dot_dimension_numbers<[1], [0], [0], [1], [0, 0, 1, 1], [], []>, transpose_lhs_hint = false} : vector<1024x128xf32>, vector<128x128xf32>, vector<1024x128xf32> -> vector<1024x128xf32>
    %get3A_687 = arith.constant 0 : index
    %get3A_688 = arith.constant 0 : index
    %get3A_689 = vector.load %arg6[%get3A_687, %get3A_688] : memref<128x4xf32, #tpu.memory_space<vmem>>, vector<128x4xf32>
    %get3A_690 = arith.constant 0 : index
    %get3A_691 = arith.constant 0 : index
    %get3A_692 = vector.load %arg7[%get3A_690, %get3A_691] : memref<4x128xf32, #tpu.memory_space<vmem>>, vector<4x128xf32>
    %slice3A_693 = vector.extract_strided_slice %dot_general3A_681 {offsets = [0, 0], sizes = [128, 128], strides = [1, 1]} : vector<1024x128xf32> to vector<128x128xf32>
    %concatenate3A_694 = tpu.concatenate %slice3A_693, %slice3A_693, %slice3A_693, %slice3A_693, %slice3A_693, %slice3A_693, %slice3A_693, %slice3A_693 in 0 : vector<128x128xf32>, vector<128x128xf32>, vector<128x128xf32>, vector<128x128xf32>, vector<128x128xf32>, vector<128x128xf32>, vector<128x128xf32>, vector<128x128xf32> -> vector<1024x128xf32>
    %slice3A_695 = vector.extract_strided_slice %convert_element_type3A_603 {offsets = [0, 0], sizes = [128, 1], strides = [1, 1]} : vector<128x8xf32> to vector<128x1xf32>
    %concatenate3A_696 = tpu.concatenate %slice3A_695, %slice3A_695, %slice3A_695, %slice3A_695, %slice3A_695, %slice3A_695, %slice3A_695, %slice3A_695 in 0 : vector<128x1xf32>, vector<128x1xf32>, vector<128x1xf32>, vector<128x1xf32>, vector<128x1xf32>, vector<128x1xf32>, vector<128x1xf32>, vector<128x1xf32> -> vector<1024x1xf32>
    %mul3A_697 = arith.mulf %dot_general3A_676, %concatenate3A_694 : vector<1024x128xf32>
    %dot_general3A_698 = arith.constant dense<0.000000e+00> : vector<1024x4xf32>
    %dot_general3A_699 = tpu.matmul %mul3A_697, %get3A_689, %dot_general3A_698 {dimension_numbers = #tpu.dot_dimension_numbers<[1], [0], [0], [1], [0, 0, 1, 1], [], []>, transpose_lhs_hint = false} : vector<1024x128xf32>, vector<128x4xf32>, vector<1024x4xf32> -> vector<1024x4xf32>
    %exp3A = math.exp %dot_general3A_699 : vector<1024x4xf32>
    %mul3A_700 = vector.broadcast %concatenate3A_696 : vector<1024x1xf32> to vector<1024x4xf32>
    %mul3A_701 = arith.mulf %exp3A, %mul3A_700 : vector<1024x4xf32>
    %slice3A_702 = vector.extract_strided_slice %dot_general3A_681 {offsets = [128, 0], sizes = [128, 128], strides = [1, 1]} : vector<1024x128xf32> to vector<128x128xf32>
    %concatenate3A_703 = tpu.concatenate %slice3A_702, %slice3A_702, %slice3A_702, %slice3A_702, %slice3A_702, %slice3A_702, %slice3A_702, %slice3A_702 in 0 : vector<128x128xf32>, vector<128x128xf32>, vector<128x128xf32>, vector<128x128xf32>, vector<128x128xf32>, vector<128x128xf32>, vector<128x128xf32>, vector<128x128xf32> -> vector<1024x128xf32>
    %slice3A_704 = vector.extract_strided_slice %convert_element_type3A_603 {offsets = [0, 1], sizes = [128, 1], strides = [1, 1]} : vector<128x8xf32> to vector<128x1xf32>
    %concatenate3A_705 = tpu.concatenate %slice3A_704, %slice3A_704, %slice3A_704, %slice3A_704, %slice3A_704, %slice3A_704, %slice3A_704, %slice3A_704 in 0 : vector<128x1xf32>, vector<128x1xf32>, vector<128x1xf32>, vector<128x1xf32>, vector<128x1xf32>, vector<128x1xf32>, vector<128x1xf32>, vector<128x1xf32> -> vector<1024x1xf32>
    %mul3A_706 = arith.mulf %dot_general3A_676, %concatenate3A_703 : vector<1024x128xf32>
    %dot_general3A_707 = arith.constant dense<0.000000e+00> : vector<1024x4xf32>
    %dot_general3A_708 = tpu.matmul %mul3A_706, %get3A_689, %dot_general3A_707 {dimension_numbers = #tpu.dot_dimension_numbers<[1], [0], [0], [1], [0, 0, 1, 1], [], []>, transpose_lhs_hint = false} : vector<1024x128xf32>, vector<128x4xf32>, vector<1024x4xf32> -> vector<1024x4xf32>
    %exp3A_709 = math.exp %dot_general3A_708 : vector<1024x4xf32>
    %mul3A_710 = vector.broadcast %concatenate3A_705 : vector<1024x1xf32> to vector<1024x4xf32>
    %mul3A_711 = arith.mulf %exp3A_709, %mul3A_710 : vector<1024x4xf32>
    %slice3A_712 = vector.extract_strided_slice %dot_general3A_681 {offsets = [256, 0], sizes = [128, 128], strides = [1, 1]} : vector<1024x128xf32> to vector<128x128xf32>
    %concatenate3A_713 = tpu.concatenate %slice3A_712, %slice3A_712, %slice3A_712, %slice3A_712, %slice3A_712, %slice3A_712, %slice3A_712, %slice3A_712 in 0 : vector<128x128xf32>, vector<128x128xf32>, vector<128x128xf32>, vector<128x128xf32>, vector<128x128xf32>, vector<128x128xf32>, vector<128x128xf32>, vector<128x128xf32> -> vector<1024x128xf32>
    %slice3A_714 = vector.extract_strided_slice %convert_element_type3A_603 {offsets = [0, 2], sizes = [128, 1], strides = [1, 1]} : vector<128x8xf32> to vector<128x1xf32>
    %concatenate3A_715 = tpu.concatenate %slice3A_714, %slice3A_714, %slice3A_714, %slice3A_714, %slice3A_714, %slice3A_714, %slice3A_714, %slice3A_714 in 0 : vector<128x1xf32>, vector<128x1xf32>, vector<128x1xf32>, vector<128x1xf32>, vector<128x1xf32>, vector<128x1xf32>, vector<128x1xf32>, vector<128x1xf32> -> vector<1024x1xf32>
    %mul3A_716 = arith.mulf %dot_general3A_676, %concatenate3A_713 : vector<1024x128xf32>
    %dot_general3A_717 = arith.constant dense<0.000000e+00> : vector<1024x4xf32>
    %dot_general3A_718 = tpu.matmul %mul3A_716, %get3A_689, %dot_general3A_717 {dimension_numbers = #tpu.dot_dimension_numbers<[1], [0], [0], [1], [0, 0, 1, 1], [], []>, transpose_lhs_hint = false} : vector<1024x128xf32>, vector<128x4xf32>, vector<1024x4xf32> -> vector<1024x4xf32>
    %exp3A_719 = math.exp %dot_general3A_718 : vector<1024x4xf32>
    %mul3A_720 = vector.broadcast %concatenate3A_715 : vector<1024x1xf32> to vector<1024x4xf32>
    %mul3A_721 = arith.mulf %exp3A_719, %mul3A_720 : vector<1024x4xf32>
    %slice3A_722 = vector.extract_strided_slice %dot_general3A_681 {offsets = [384, 0], sizes = [128, 128], strides = [1, 1]} : vector<1024x128xf32> to vector<128x128xf32>
    %concatenate3A_723 = tpu.concatenate %slice3A_722, %slice3A_722, %slice3A_722, %slice3A_722, %slice3A_722, %slice3A_722, %slice3A_722, %slice3A_722 in 0 : vector<128x128xf32>, vector<128x128xf32>, vector<128x128xf32>, vector<128x128xf32>, vector<128x128xf32>, vector<128x128xf32>, vector<128x128xf32>, vector<128x128xf32> -> vector<1024x128xf32>
    %slice3A_724 = vector.extract_strided_slice %convert_element_type3A_603 {offsets = [0, 3], sizes = [128, 1], strides = [1, 1]} : vector<128x8xf32> to vector<128x1xf32>
    %concatenate3A_725 = tpu.concatenate %slice3A_724, %slice3A_724, %slice3A_724, %slice3A_724, %slice3A_724, %slice3A_724, %slice3A_724, %slice3A_724 in 0 : vector<128x1xf32>, vector<128x1xf32>, vector<128x1xf32>, vector<128x1xf32>, vector<128x1xf32>, vector<128x1xf32>, vector<128x1xf32>, vector<128x1xf32> -> vector<1024x1xf32>
    %mul3A_726 = arith.mulf %dot_general3A_676, %concatenate3A_723 : vector<1024x128xf32>
    %dot_general3A_727 = arith.constant dense<0.000000e+00> : vector<1024x4xf32>
    %dot_general3A_728 = tpu.matmul %mul3A_726, %get3A_689, %dot_general3A_727 {dimension_numbers = #tpu.dot_dimension_numbers<[1], [0], [0], [1], [0, 0, 1, 1], [], []>, transpose_lhs_hint = false} : vector<1024x128xf32>, vector<128x4xf32>, vector<1024x4xf32> -> vector<1024x4xf32>
    %exp3A_729 = math.exp %dot_general3A_728 : vector<1024x4xf32>
    %mul3A_730 = vector.broadcast %concatenate3A_725 : vector<1024x1xf32> to vector<1024x4xf32>
    %mul3A_731 = arith.mulf %exp3A_729, %mul3A_730 : vector<1024x4xf32>
    %slice3A_732 = vector.extract_strided_slice %dot_general3A_681 {offsets = [512, 0], sizes = [128, 128], strides = [1, 1]} : vector<1024x128xf32> to vector<128x128xf32>
    %concatenate3A_733 = tpu.concatenate %slice3A_732, %slice3A_732, %slice3A_732, %slice3A_732, %slice3A_732, %slice3A_732, %slice3A_732, %slice3A_732 in 0 : vector<128x128xf32>, vector<128x128xf32>, vector<128x128xf32>, vector<128x128xf32>, vector<128x128xf32>, vector<128x128xf32>, vector<128x128xf32>, vector<128x128xf32> -> vector<1024x128xf32>
    %slice3A_734 = vector.extract_strided_slice %convert_element_type3A_603 {offsets = [0, 4], sizes = [128, 1], strides = [1, 1]} : vector<128x8xf32> to vector<128x1xf32>
    %concatenate3A_735 = tpu.concatenate %slice3A_734, %slice3A_734, %slice3A_734, %slice3A_734, %slice3A_734, %slice3A_734, %slice3A_734, %slice3A_734 in 0 : vector<128x1xf32>, vector<128x1xf32>, vector<128x1xf32>, vector<128x1xf32>, vector<128x1xf32>, vector<128x1xf32>, vector<128x1xf32>, vector<128x1xf32> -> vector<1024x1xf32>
    %mul3A_736 = arith.mulf %dot_general3A_676, %concatenate3A_733 : vector<1024x128xf32>
    %dot_general3A_737 = arith.constant dense<0.000000e+00> : vector<1024x4xf32>
    %dot_general3A_738 = tpu.matmul %mul3A_736, %get3A_689, %dot_general3A_737 {dimension_numbers = #tpu.dot_dimension_numbers<[1], [0], [0], [1], [0, 0, 1, 1], [], []>, transpose_lhs_hint = false} : vector<1024x128xf32>, vector<128x4xf32>, vector<1024x4xf32> -> vector<1024x4xf32>
    %exp3A_739 = math.exp %dot_general3A_738 : vector<1024x4xf32>
    %mul3A_740 = vector.broadcast %concatenate3A_735 : vector<1024x1xf32> to vector<1024x4xf32>
    %mul3A_741 = arith.mulf %exp3A_739, %mul3A_740 : vector<1024x4xf32>
    %slice3A_742 = vector.extract_strided_slice %dot_general3A_681 {offsets = [640, 0], sizes = [128, 128], strides = [1, 1]} : vector<1024x128xf32> to vector<128x128xf32>
    %concatenate3A_743 = tpu.concatenate %slice3A_742, %slice3A_742, %slice3A_742, %slice3A_742, %slice3A_742, %slice3A_742, %slice3A_742, %slice3A_742 in 0 : vector<128x128xf32>, vector<128x128xf32>, vector<128x128xf32>, vector<128x128xf32>, vector<128x128xf32>, vector<128x128xf32>, vector<128x128xf32>, vector<128x128xf32> -> vector<1024x128xf32>
    %slice3A_744 = vector.extract_strided_slice %convert_element_type3A_603 {offsets = [0, 5], sizes = [128, 1], strides = [1, 1]} : vector<128x8xf32> to vector<128x1xf32>
    %concatenate3A_745 = tpu.concatenate %slice3A_744, %slice3A_744, %slice3A_744, %slice3A_744, %slice3A_744, %slice3A_744, %slice3A_744, %slice3A_744 in 0 : vector<128x1xf32>, vector<128x1xf32>, vector<128x1xf32>, vector<128x1xf32>, vector<128x1xf32>, vector<128x1xf32>, vector<128x1xf32>, vector<128x1xf32> -> vector<1024x1xf32>
    %mul3A_746 = arith.mulf %dot_general3A_676, %concatenate3A_743 : vector<1024x128xf32>
    %dot_general3A_747 = arith.constant dense<0.000000e+00> : vector<1024x4xf32>
    %dot_general3A_748 = tpu.matmul %mul3A_746, %get3A_689, %dot_general3A_747 {dimension_numbers = #tpu.dot_dimension_numbers<[1], [0], [0], [1], [0, 0, 1, 1], [], []>, transpose_lhs_hint = false} : vector<1024x128xf32>, vector<128x4xf32>, vector<1024x4xf32> -> vector<1024x4xf32>
    %exp3A_749 = math.exp %dot_general3A_748 : vector<1024x4xf32>
    %mul3A_750 = vector.broadcast %concatenate3A_745 : vector<1024x1xf32> to vector<1024x4xf32>
    %mul3A_751 = arith.mulf %exp3A_749, %mul3A_750 : vector<1024x4xf32>
    %slice3A_752 = vector.extract_strided_slice %dot_general3A_681 {offsets = [768, 0], sizes = [128, 128], strides = [1, 1]} : vector<1024x128xf32> to vector<128x128xf32>
    %concatenate3A_753 = tpu.concatenate %slice3A_752, %slice3A_752, %slice3A_752, %slice3A_752, %slice3A_752, %slice3A_752, %slice3A_752, %slice3A_752 in 0 : vector<128x128xf32>, vector<128x128xf32>, vector<128x128xf32>, vector<128x128xf32>, vector<128x128xf32>, vector<128x128xf32>, vector<128x128xf32>, vector<128x128xf32> -> vector<1024x128xf32>
    %slice3A_754 = vector.extract_strided_slice %convert_element_type3A_603 {offsets = [0, 6], sizes = [128, 1], strides = [1, 1]} : vector<128x8xf32> to vector<128x1xf32>
    %concatenate3A_755 = tpu.concatenate %slice3A_754, %slice3A_754, %slice3A_754, %slice3A_754, %slice3A_754, %slice3A_754, %slice3A_754, %slice3A_754 in 0 : vector<128x1xf32>, vector<128x1xf32>, vector<128x1xf32>, vector<128x1xf32>, vector<128x1xf32>, vector<128x1xf32>, vector<128x1xf32>, vector<128x1xf32> -> vector<1024x1xf32>
    %mul3A_756 = arith.mulf %dot_general3A_676, %concatenate3A_753 : vector<1024x128xf32>
    %dot_general3A_757 = arith.constant dense<0.000000e+00> : vector<1024x4xf32>
    %dot_general3A_758 = tpu.matmul %mul3A_756, %get3A_689, %dot_general3A_757 {dimension_numbers = #tpu.dot_dimension_numbers<[1], [0], [0], [1], [0, 0, 1, 1], [], []>, transpose_lhs_hint = false} : vector<1024x128xf32>, vector<128x4xf32>, vector<1024x4xf32> -> vector<1024x4xf32>
    %exp3A_759 = math.exp %dot_general3A_758 : vector<1024x4xf32>
    %mul3A_760 = vector.broadcast %concatenate3A_755 : vector<1024x1xf32> to vector<1024x4xf32>
    %mul3A_761 = arith.mulf %exp3A_759, %mul3A_760 : vector<1024x4xf32>
    %slice3A_762 = vector.extract_strided_slice %dot_general3A_681 {offsets = [896, 0], sizes = [128, 128], strides = [1, 1]} : vector<1024x128xf32> to vector<128x128xf32>
    %concatenate3A_763 = tpu.concatenate %slice3A_762, %slice3A_762, %slice3A_762, %slice3A_762, %slice3A_762, %slice3A_762, %slice3A_762, %slice3A_762 in 0 : vector<128x128xf32>, vector<128x128xf32>, vector<128x128xf32>, vector<128x128xf32>, vector<128x128xf32>, vector<128x128xf32>, vector<128x128xf32>, vector<128x128xf32> -> vector<1024x128xf32>
    %slice3A_764 = vector.extract_strided_slice %convert_element_type3A_603 {offsets = [0, 7], sizes = [128, 1], strides = [1, 1]} : vector<128x8xf32> to vector<128x1xf32>
    %concatenate3A_765 = tpu.concatenate %slice3A_764, %slice3A_764, %slice3A_764, %slice3A_764, %slice3A_764, %slice3A_764, %slice3A_764, %slice3A_764 in 0 : vector<128x1xf32>, vector<128x1xf32>, vector<128x1xf32>, vector<128x1xf32>, vector<128x1xf32>, vector<128x1xf32>, vector<128x1xf32>, vector<128x1xf32> -> vector<1024x1xf32>
    %mul3A_766 = arith.mulf %dot_general3A_676, %concatenate3A_763 : vector<1024x128xf32>
    %dot_general3A_767 = arith.constant dense<0.000000e+00> : vector<1024x4xf32>
    %dot_general3A_768 = tpu.matmul %mul3A_766, %get3A_689, %dot_general3A_767 {dimension_numbers = #tpu.dot_dimension_numbers<[1], [0], [0], [1], [0, 0, 1, 1], [], []>, transpose_lhs_hint = false} : vector<1024x128xf32>, vector<128x4xf32>, vector<1024x4xf32> -> vector<1024x4xf32>
    %exp3A_769 = math.exp %dot_general3A_768 : vector<1024x4xf32>
    %mul3A_770 = vector.broadcast %concatenate3A_765 : vector<1024x1xf32> to vector<1024x4xf32>
    %mul3A_771 = arith.mulf %exp3A_769, %mul3A_770 : vector<1024x4xf32>
    %add3A_772 = arith.addf %mul3A_701, %mul3A_711 : vector<1024x4xf32>
    %add3A_773 = arith.addf %add3A_772, %mul3A_721 : vector<1024x4xf32>
    %add3A_774 = arith.addf %add3A_773, %mul3A_731 : vector<1024x4xf32>
    %add3A_775 = arith.addf %add3A_774, %mul3A_741 : vector<1024x4xf32>
    %add3A_776 = arith.addf %add3A_775, %mul3A_751 : vector<1024x4xf32>
    %add3A_777 = arith.addf %add3A_776, %mul3A_761 : vector<1024x4xf32>
    %add3A_778 = arith.addf %add3A_777, %mul3A_771 : vector<1024x4xf32>
    %add3A_779 = arith.constant 9.99999991E-38 : f32
    %add3A_780 = vector.broadcast %add3A_779 : f32 to vector<1024x4xf32>
    %add3A_781 = arith.addf %add3A_778, %add3A_780 : vector<1024x4xf32>
    %div3A_782 = arith.constant 1.000000e+00 : f32
    %div3A_783 = vector.broadcast %div3A_782 : f32 to vector<1024x4xf32>
    %div3A_784 = arith.divf %div3A_783, %add3A_781 : vector<1024x4xf32>
    %slice3A_785 = vector.extract_strided_slice %dot_general3A_686 {offsets = [0, 0], sizes = [128, 128], strides = [1, 1]} : vector<1024x128xf32> to vector<128x128xf32>
    %concatenate3A_786 = tpu.concatenate %slice3A_785, %slice3A_785, %slice3A_785, %slice3A_785, %slice3A_785, %slice3A_785, %slice3A_785, %slice3A_785 in 0 : vector<128x128xf32>, vector<128x128xf32>, vector<128x128xf32>, vector<128x128xf32>, vector<128x128xf32>, vector<128x128xf32>, vector<128x128xf32>, vector<128x128xf32> -> vector<1024x128xf32>
    %mul3A_787 = arith.mulf %mul3A_701, %div3A_784 : vector<1024x4xf32>
    %dot_general3A_788 = arith.constant dense<0.000000e+00> : vector<1024x128xf32>
    %dot_general3A_789 = tpu.matmul %mul3A_787, %get3A_692, %dot_general3A_788 {dimension_numbers = #tpu.dot_dimension_numbers<[1], [0], [0], [1], [0, 0, 1, 1], [], []>, transpose_lhs_hint = false} : vector<1024x4xf32>, vector<4x128xf32>, vector<1024x128xf32> -> vector<1024x128xf32>
    %mul3A_790 = arith.mulf %dot_general3A_789, %concatenate3A_786 : vector<1024x128xf32>
    %slice3A_791 = vector.extract_strided_slice %dot_general3A_686 {offsets = [128, 0], sizes = [128, 128], strides = [1, 1]} : vector<1024x128xf32> to vector<128x128xf32>
    %concatenate3A_792 = tpu.concatenate %slice3A_791, %slice3A_791, %slice3A_791, %slice3A_791, %slice3A_791, %slice3A_791, %slice3A_791, %slice3A_791 in 0 : vector<128x128xf32>, vector<128x128xf32>, vector<128x128xf32>, vector<128x128xf32>, vector<128x128xf32>, vector<128x128xf32>, vector<128x128xf32>, vector<128x128xf32> -> vector<1024x128xf32>
    %mul3A_793 = arith.mulf %mul3A_711, %div3A_784 : vector<1024x4xf32>
    %dot_general3A_794 = arith.constant dense<0.000000e+00> : vector<1024x128xf32>
    %dot_general3A_795 = tpu.matmul %mul3A_793, %get3A_692, %dot_general3A_794 {dimension_numbers = #tpu.dot_dimension_numbers<[1], [0], [0], [1], [0, 0, 1, 1], [], []>, transpose_lhs_hint = false} : vector<1024x4xf32>, vector<4x128xf32>, vector<1024x128xf32> -> vector<1024x128xf32>
    %mul3A_796 = arith.mulf %dot_general3A_795, %concatenate3A_792 : vector<1024x128xf32>
    %slice3A_797 = vector.extract_strided_slice %dot_general3A_686 {offsets = [256, 0], sizes = [128, 128], strides = [1, 1]} : vector<1024x128xf32> to vector<128x128xf32>
    %concatenate3A_798 = tpu.concatenate %slice3A_797, %slice3A_797, %slice3A_797, %slice3A_797, %slice3A_797, %slice3A_797, %slice3A_797, %slice3A_797 in 0 : vector<128x128xf32>, vector<128x128xf32>, vector<128x128xf32>, vector<128x128xf32>, vector<128x128xf32>, vector<128x128xf32>, vector<128x128xf32>, vector<128x128xf32> -> vector<1024x128xf32>
    %mul3A_799 = arith.mulf %mul3A_721, %div3A_784 : vector<1024x4xf32>
    %dot_general3A_800 = arith.constant dense<0.000000e+00> : vector<1024x128xf32>
    %dot_general3A_801 = tpu.matmul %mul3A_799, %get3A_692, %dot_general3A_800 {dimension_numbers = #tpu.dot_dimension_numbers<[1], [0], [0], [1], [0, 0, 1, 1], [], []>, transpose_lhs_hint = false} : vector<1024x4xf32>, vector<4x128xf32>, vector<1024x128xf32> -> vector<1024x128xf32>
    %mul3A_802 = arith.mulf %dot_general3A_801, %concatenate3A_798 : vector<1024x128xf32>
    %slice3A_803 = vector.extract_strided_slice %dot_general3A_686 {offsets = [384, 0], sizes = [128, 128], strides = [1, 1]} : vector<1024x128xf32> to vector<128x128xf32>
    %concatenate3A_804 = tpu.concatenate %slice3A_803, %slice3A_803, %slice3A_803, %slice3A_803, %slice3A_803, %slice3A_803, %slice3A_803, %slice3A_803 in 0 : vector<128x128xf32>, vector<128x128xf32>, vector<128x128xf32>, vector<128x128xf32>, vector<128x128xf32>, vector<128x128xf32>, vector<128x128xf32>, vector<128x128xf32> -> vector<1024x128xf32>
    %mul3A_805 = arith.mulf %mul3A_731, %div3A_784 : vector<1024x4xf32>
    %dot_general3A_806 = arith.constant dense<0.000000e+00> : vector<1024x128xf32>
    %dot_general3A_807 = tpu.matmul %mul3A_805, %get3A_692, %dot_general3A_806 {dimension_numbers = #tpu.dot_dimension_numbers<[1], [0], [0], [1], [0, 0, 1, 1], [], []>, transpose_lhs_hint = false} : vector<1024x4xf32>, vector<4x128xf32>, vector<1024x128xf32> -> vector<1024x128xf32>
    %mul3A_808 = arith.mulf %dot_general3A_807, %concatenate3A_804 : vector<1024x128xf32>
    %slice3A_809 = vector.extract_strided_slice %dot_general3A_686 {offsets = [512, 0], sizes = [128, 128], strides = [1, 1]} : vector<1024x128xf32> to vector<128x128xf32>
    %concatenate3A_810 = tpu.concatenate %slice3A_809, %slice3A_809, %slice3A_809, %slice3A_809, %slice3A_809, %slice3A_809, %slice3A_809, %slice3A_809 in 0 : vector<128x128xf32>, vector<128x128xf32>, vector<128x128xf32>, vector<128x128xf32>, vector<128x128xf32>, vector<128x128xf32>, vector<128x128xf32>, vector<128x128xf32> -> vector<1024x128xf32>
    %mul3A_811 = arith.mulf %mul3A_741, %div3A_784 : vector<1024x4xf32>
    %dot_general3A_812 = arith.constant dense<0.000000e+00> : vector<1024x128xf32>
    %dot_general3A_813 = tpu.matmul %mul3A_811, %get3A_692, %dot_general3A_812 {dimension_numbers = #tpu.dot_dimension_numbers<[1], [0], [0], [1], [0, 0, 1, 1], [], []>, transpose_lhs_hint = false} : vector<1024x4xf32>, vector<4x128xf32>, vector<1024x128xf32> -> vector<1024x128xf32>
    %mul3A_814 = arith.mulf %dot_general3A_813, %concatenate3A_810 : vector<1024x128xf32>
    %slice3A_815 = vector.extract_strided_slice %dot_general3A_686 {offsets = [640, 0], sizes = [128, 128], strides = [1, 1]} : vector<1024x128xf32> to vector<128x128xf32>
    %concatenate3A_816 = tpu.concatenate %slice3A_815, %slice3A_815, %slice3A_815, %slice3A_815, %slice3A_815, %slice3A_815, %slice3A_815, %slice3A_815 in 0 : vector<128x128xf32>, vector<128x128xf32>, vector<128x128xf32>, vector<128x128xf32>, vector<128x128xf32>, vector<128x128xf32>, vector<128x128xf32>, vector<128x128xf32> -> vector<1024x128xf32>
    %mul3A_817 = arith.mulf %mul3A_751, %div3A_784 : vector<1024x4xf32>
    %dot_general3A_818 = arith.constant dense<0.000000e+00> : vector<1024x128xf32>
    %dot_general3A_819 = tpu.matmul %mul3A_817, %get3A_692, %dot_general3A_818 {dimension_numbers = #tpu.dot_dimension_numbers<[1], [0], [0], [1], [0, 0, 1, 1], [], []>, transpose_lhs_hint = false} : vector<1024x4xf32>, vector<4x128xf32>, vector<1024x128xf32> -> vector<1024x128xf32>
    %mul3A_820 = arith.mulf %dot_general3A_819, %concatenate3A_816 : vector<1024x128xf32>
    %slice3A_821 = vector.extract_strided_slice %dot_general3A_686 {offsets = [768, 0], sizes = [128, 128], strides = [1, 1]} : vector<1024x128xf32> to vector<128x128xf32>
    %concatenate3A_822 = tpu.concatenate %slice3A_821, %slice3A_821, %slice3A_821, %slice3A_821, %slice3A_821, %slice3A_821, %slice3A_821, %slice3A_821 in 0 : vector<128x128xf32>, vector<128x128xf32>, vector<128x128xf32>, vector<128x128xf32>, vector<128x128xf32>, vector<128x128xf32>, vector<128x128xf32>, vector<128x128xf32> -> vector<1024x128xf32>
    %mul3A_823 = arith.mulf %mul3A_761, %div3A_784 : vector<1024x4xf32>
    %dot_general3A_824 = arith.constant dense<0.000000e+00> : vector<1024x128xf32>
    %dot_general3A_825 = tpu.matmul %mul3A_823, %get3A_692, %dot_general3A_824 {dimension_numbers = #tpu.dot_dimension_numbers<[1], [0], [0], [1], [0, 0, 1, 1], [], []>, transpose_lhs_hint = false} : vector<1024x4xf32>, vector<4x128xf32>, vector<1024x128xf32> -> vector<1024x128xf32>
    %mul3A_826 = arith.mulf %dot_general3A_825, %concatenate3A_822 : vector<1024x128xf32>
    %slice3A_827 = vector.extract_strided_slice %dot_general3A_686 {offsets = [896, 0], sizes = [128, 128], strides = [1, 1]} : vector<1024x128xf32> to vector<128x128xf32>
    %concatenate3A_828 = tpu.concatenate %slice3A_827, %slice3A_827, %slice3A_827, %slice3A_827, %slice3A_827, %slice3A_827, %slice3A_827, %slice3A_827 in 0 : vector<128x128xf32>, vector<128x128xf32>, vector<128x128xf32>, vector<128x128xf32>, vector<128x128xf32>, vector<128x128xf32>, vector<128x128xf32>, vector<128x128xf32> -> vector<1024x128xf32>
    %mul3A_829 = arith.mulf %mul3A_771, %div3A_784 : vector<1024x4xf32>
    %dot_general3A_830 = arith.constant dense<0.000000e+00> : vector<1024x128xf32>
    %dot_general3A_831 = tpu.matmul %mul3A_829, %get3A_692, %dot_general3A_830 {dimension_numbers = #tpu.dot_dimension_numbers<[1], [0], [0], [1], [0, 0, 1, 1], [], []>, transpose_lhs_hint = false} : vector<1024x4xf32>, vector<4x128xf32>, vector<1024x128xf32> -> vector<1024x128xf32>
    %mul3A_832 = arith.mulf %dot_general3A_831, %concatenate3A_828 : vector<1024x128xf32>
    %add3A_833 = arith.addf %mul3A_790, %mul3A_796 : vector<1024x128xf32>
    %add3A_834 = arith.addf %mul3A_802, %mul3A_808 : vector<1024x128xf32>
    %add3A_835 = arith.addf %mul3A_814, %mul3A_820 : vector<1024x128xf32>
    %add3A_836 = arith.addf %mul3A_826, %mul3A_832 : vector<1024x128xf32>
    %add3A_837 = arith.addf %add3A_833, %add3A_834 : vector<1024x128xf32>
    %add3A_838 = arith.addf %add3A_835, %add3A_836 : vector<1024x128xf32>
    %add3A_839 = arith.addf %add3A_837, %add3A_838 : vector<1024x128xf32>
    %get3A_840 = arith.constant 0 : index
    %get3A_841 = arith.constant 0 : index
    %get3A_842 = vector.load %arg15[%get3A_840, %get3A_841] : memref<128x128xf32, #tpu.memory_space<vmem>>, vector<128x128xf32>
    %dot_general3A_843 = arith.constant dense<0.000000e+00> : vector<1024x128xf32>
    %dot_general3A_844 = tpu.matmul %add3A_839, %get3A_842, %dot_general3A_843 {dimension_numbers = #tpu.dot_dimension_numbers<[1], [0], [0], [1], [0, 0, 1, 1], [], []>, transpose_lhs_hint = false} : vector<1024x128xf32>, vector<128x128xf32>, vector<1024x128xf32> -> vector<1024x128xf32>
    %slice3A_845 = vector.extract_strided_slice %dot_general3A_844 {offsets = [0, 0], sizes = [128, 128], strides = [1, 1]} : vector<1024x128xf32> to vector<128x128xf32>
    %swap3A_846 = arith.constant 0 : index
    %swap3A_847 = arith.constant 0 : index
    %swap3A_848 = arith.constant 0 : index
    %swap3A_849 = vector.load %arg23[%swap3A_846, %swap3A_847, %swap3A_848] : memref<128x8x128xf32, #tpu.memory_space<vmem>>, vector<128x1x128xf32>
    %swap3A_850 = vector.shape_cast %swap3A_849 : vector<128x1x128xf32> to vector<128x128xf32>
    %swap3A_851 = vector.shape_cast %slice3A_845 : vector<128x128xf32> to vector<128x1x128xf32>
    tpu.vector_store %arg23[%swap3A_846, %swap3A_847, %swap3A_848], %swap3A_851 {strides = array<i32>} : memref<128x8x128xf32, #tpu.memory_space<vmem>>, vector<128x1x128xf32>,
    %slice3A_852 = vector.extract_strided_slice %dot_general3A_844 {offsets = [128, 0], sizes = [128, 128], strides = [1, 1]} : vector<1024x128xf32> to vector<128x128xf32>
    %swap3A_853 = arith.constant 0 : index
    %swap3A_854 = arith.constant 1 : index
    %swap3A_855 = arith.constant 0 : index
    %swap3A_856 = vector.load %arg23[%swap3A_853, %swap3A_854, %swap3A_855] : memref<128x8x128xf32, #tpu.memory_space<vmem>>, vector<128x1x128xf32>
    %swap3A_857 = vector.shape_cast %swap3A_856 : vector<128x1x128xf32> to vector<128x128xf32>
    %swap3A_858 = vector.shape_cast %slice3A_852 : vector<128x128xf32> to vector<128x1x128xf32>
    tpu.vector_store %arg23[%swap3A_853, %swap3A_854, %swap3A_855], %swap3A_858 {strides = array<i32>} : memref<128x8x128xf32, #tpu.memory_space<vmem>>, vector<128x1x128xf32>,
    %slice3A_859 = vector.extract_strided_slice %dot_general3A_844 {offsets = [256, 0], sizes = [128, 128], strides = [1, 1]} : vector<1024x128xf32> to vector<128x128xf32>
    %swap3A_860 = arith.constant 0 : index
    %swap3A_861 = arith.constant 2 : index
    %swap3A_862 = arith.constant 0 : index
    %swap3A_863 = vector.load %arg23[%swap3A_860, %swap3A_861, %swap3A_862] : memref<128x8x128xf32, #tpu.memory_space<vmem>>, vector<128x1x128xf32>
    %swap3A_864 = vector.shape_cast %swap3A_863 : vector<128x1x128xf32> to vector<128x128xf32>
    %swap3A_865 = vector.shape_cast %slice3A_859 : vector<128x128xf32> to vector<128x1x128xf32>
    tpu.vector_store %arg23[%swap3A_860, %swap3A_861, %swap3A_862], %swap3A_865 {strides = array<i32>} : memref<128x8x128xf32, #tpu.memory_space<vmem>>, vector<128x1x128xf32>,
    %slice3A_866 = vector.extract_strided_slice %dot_general3A_844 {offsets = [384, 0], sizes = [128, 128], strides = [1, 1]} : vector<1024x128xf32> to vector<128x128xf32>
    %swap3A_867 = arith.constant 0 : index
    %swap3A_868 = arith.constant 3 : index
    %swap3A_869 = arith.constant 0 : index
    %swap3A_870 = vector.load %arg23[%swap3A_867, %swap3A_868, %swap3A_869] : memref<128x8x128xf32, #tpu.memory_space<vmem>>, vector<128x1x128xf32>
    %swap3A_871 = vector.shape_cast %swap3A_870 : vector<128x1x128xf32> to vector<128x128xf32>
    %swap3A_872 = vector.shape_cast %slice3A_866 : vector<128x128xf32> to vector<128x1x128xf32>
    tpu.vector_store %arg23[%swap3A_867, %swap3A_868, %swap3A_869], %swap3A_872 {strides = array<i32>} : memref<128x8x128xf32, #tpu.memory_space<vmem>>, vector<128x1x128xf32>,
    %slice3A_873 = vector.extract_strided_slice %dot_general3A_844 {offsets = [512, 0], sizes = [128, 128], strides = [1, 1]} : vector<1024x128xf32> to vector<128x128xf32>
    %swap3A_874 = arith.constant 0 : index
    %swap3A_875 = arith.constant 4 : index
    %swap3A_876 = arith.constant 0 : index
    %swap3A_877 = vector.load %arg23[%swap3A_874, %swap3A_875, %swap3A_876] : memref<128x8x128xf32, #tpu.memory_space<vmem>>, vector<128x1x128xf32>
    %swap3A_878 = vector.shape_cast %swap3A_877 : vector<128x1x128xf32> to vector<128x128xf32>
    %swap3A_879 = vector.shape_cast %slice3A_873 : vector<128x128xf32> to vector<128x1x128xf32>
    tpu.vector_store %arg23[%swap3A_874, %swap3A_875, %swap3A_876], %swap3A_879 {strides = array<i32>} : memref<128x8x128xf32, #tpu.memory_space<vmem>>, vector<128x1x128xf32>,
    %slice3A_880 = vector.extract_strided_slice %dot_general3A_844 {offsets = [640, 0], sizes = [128, 128], strides = [1, 1]} : vector<1024x128xf32> to vector<128x128xf32>
    %swap3A_881 = arith.constant 0 : index
    %swap3A_882 = arith.constant 5 : index
    %swap3A_883 = arith.constant 0 : index
    %swap3A_884 = vector.load %arg23[%swap3A_881, %swap3A_882, %swap3A_883] : memref<128x8x128xf32, #tpu.memory_space<vmem>>, vector<128x1x128xf32>
    %swap3A_885 = vector.shape_cast %swap3A_884 : vector<128x1x128xf32> to vector<128x128xf32>
    %swap3A_886 = vector.shape_cast %slice3A_880 : vector<128x128xf32> to vector<128x1x128xf32>
    tpu.vector_store %arg23[%swap3A_881, %swap3A_882, %swap3A_883], %swap3A_886 {strides = array<i32>} : memref<128x8x128xf32, #tpu.memory_space<vmem>>, vector<128x1x128xf32>,
    %slice3A_887 = vector.extract_strided_slice %dot_general3A_844 {offsets = [768, 0], sizes = [128, 128], strides = [1, 1]} : vector<1024x128xf32> to vector<128x128xf32>
    %swap3A_888 = arith.constant 0 : index
    %swap3A_889 = arith.constant 6 : index
    %swap3A_890 = arith.constant 0 : index
    %swap3A_891 = vector.load %arg23[%swap3A_888, %swap3A_889, %swap3A_890] : memref<128x8x128xf32, #tpu.memory_space<vmem>>, vector<128x1x128xf32>
    %swap3A_892 = vector.shape_cast %swap3A_891 : vector<128x1x128xf32> to vector<128x128xf32>
    %swap3A_893 = vector.shape_cast %slice3A_887 : vector<128x128xf32> to vector<128x1x128xf32>
    tpu.vector_store %arg23[%swap3A_888, %swap3A_889, %swap3A_890], %swap3A_893 {strides = array<i32>} : memref<128x8x128xf32, #tpu.memory_space<vmem>>, vector<128x1x128xf32>,
    %slice3A_894 = vector.extract_strided_slice %dot_general3A_844 {offsets = [896, 0], sizes = [128, 128], strides = [1, 1]} : vector<1024x128xf32> to vector<128x128xf32>
    %swap3A_895 = arith.constant 0 : index
    %swap3A_896 = arith.constant 7 : index
    %swap3A_897 = arith.constant 0 : index
    %swap3A_898 = vector.load %arg23[%swap3A_895, %swap3A_896, %swap3A_897] : memref<128x8x128xf32, #tpu.memory_space<vmem>>, vector<128x1x128xf32>
    %swap3A_899 = vector.shape_cast %swap3A_898 : vector<128x1x128xf32> to vector<128x128xf32>
    %swap3A_900 = vector.shape_cast %slice3A_894 : vector<128x128xf32> to vector<128x1x128xf32>
    tpu.vector_store %arg23[%swap3A_895, %swap3A_896, %swap3A_897], %swap3A_900 {strides = array<i32>} : memref<128x8x128xf32, #tpu.memory_space<vmem>>, vector<128x1x128xf32>,
    %slice3A_901 = vector.extract_strided_slice %convert_element_type3A_603 {offsets = [0, 0], sizes = [128, 1], strides = [1, 1]} : vector<128x8xf32> to vector<128x1xf32>
    %slice3A_902 = vector.extract_strided_slice %dot_general3A_844 {offsets = [0, 0], sizes = [128, 128], strides = [1, 1]} : vector<1024x128xf32> to vector<128x128xf32>
    %mul3A_903 = vector.broadcast %slice3A_901 : vector<128x1xf32> to vector<128x128xf32>
    %mul3A_904 = arith.mulf %mul3A_903, %slice3A_902 : vector<128x128xf32>
    %slice3A_905 = vector.extract_strided_slice %convert_element_type3A_603 {offsets = [0, 1], sizes = [128, 1], strides = [1, 1]} : vector<128x8xf32> to vector<128x1xf32>
    %slice3A_906 = vector.extract_strided_slice %dot_general3A_844 {offsets = [128, 0], sizes = [128, 128], strides = [1, 1]} : vector<1024x128xf32> to vector<128x128xf32>
    %mul3A_907 = vector.broadcast %slice3A_905 : vector<128x1xf32> to vector<128x128xf32>
    %mul3A_908 = arith.mulf %mul3A_907, %slice3A_906 : vector<128x128xf32>
    %slice3A_909 = vector.extract_strided_slice %convert_element_type3A_603 {offsets = [0, 2], sizes = [128, 1], strides = [1, 1]} : vector<128x8xf32> to vector<128x1xf32>
    %slice3A_910 = vector.extract_strided_slice %dot_general3A_844 {offsets = [256, 0], sizes = [128, 128], strides = [1, 1]} : vector<1024x128xf32> to vector<128x128xf32>
    %mul3A_911 = vector.broadcast %slice3A_909 : vector<128x1xf32> to vector<128x128xf32>
    %mul3A_912 = arith.mulf %mul3A_911, %slice3A_910 : vector<128x128xf32>
    %slice3A_913 = vector.extract_strided_slice %convert_element_type3A_603 {offsets = [0, 3], sizes = [128, 1], strides = [1, 1]} : vector<128x8xf32> to vector<128x1xf32>
    %slice3A_914 = vector.extract_strided_slice %dot_general3A_844 {offsets = [384, 0], sizes = [128, 128], strides = [1, 1]} : vector<1024x128xf32> to vector<128x128xf32>
    %mul3A_915 = vector.broadcast %slice3A_913 : vector<128x1xf32> to vector<128x128xf32>
    %mul3A_916 = arith.mulf %mul3A_915, %slice3A_914 : vector<128x128xf32>
    %slice3A_917 = vector.extract_strided_slice %convert_element_type3A_603 {offsets = [0, 4], sizes = [128, 1], strides = [1, 1]} : vector<128x8xf32> to vector<128x1xf32>
    %slice3A_918 = vector.extract_strided_slice %dot_general3A_844 {offsets = [512, 0], sizes = [128, 128], strides = [1, 1]} : vector<1024x128xf32> to vector<128x128xf32>
    %mul3A_919 = vector.broadcast %slice3A_917 : vector<128x1xf32> to vector<128x128xf32>
    %mul3A_920 = arith.mulf %mul3A_919, %slice3A_918 : vector<128x128xf32>
    %slice3A_921 = vector.extract_strided_slice %convert_element_type3A_603 {offsets = [0, 5], sizes = [128, 1], strides = [1, 1]} : vector<128x8xf32> to vector<128x1xf32>
    %slice3A_922 = vector.extract_strided_slice %dot_general3A_844 {offsets = [640, 0], sizes = [128, 128], strides = [1, 1]} : vector<1024x128xf32> to vector<128x128xf32>
    %mul3A_923 = vector.broadcast %slice3A_921 : vector<128x1xf32> to vector<128x128xf32>
    %mul3A_924 = arith.mulf %mul3A_923, %slice3A_922 : vector<128x128xf32>
    %slice3A_925 = vector.extract_strided_slice %convert_element_type3A_603 {offsets = [0, 6], sizes = [128, 1], strides = [1, 1]} : vector<128x8xf32> to vector<128x1xf32>
    %slice3A_926 = vector.extract_strided_slice %dot_general3A_844 {offsets = [768, 0], sizes = [128, 128], strides = [1, 1]} : vector<1024x128xf32> to vector<128x128xf32>
    %mul3A_927 = vector.broadcast %slice3A_925 : vector<128x1xf32> to vector<128x128xf32>
    %mul3A_928 = arith.mulf %mul3A_927, %slice3A_926 : vector<128x128xf32>
    %slice3A_929 = vector.extract_strided_slice %convert_element_type3A_603 {offsets = [0, 7], sizes = [128, 1], strides = [1, 1]} : vector<128x8xf32> to vector<128x1xf32>
    %slice3A_930 = vector.extract_strided_slice %dot_general3A_844 {offsets = [896, 0], sizes = [128, 128], strides = [1, 1]} : vector<1024x128xf32> to vector<128x128xf32>
    %mul3A_931 = vector.broadcast %slice3A_929 : vector<128x1xf32> to vector<128x128xf32>
    %mul3A_932 = arith.mulf %mul3A_931, %slice3A_930 : vector<128x128xf32>
    %add3A_933 = arith.addf %mul3A_904, %mul3A_908 : vector<128x128xf32>
    %add3A_934 = arith.addf %mul3A_912, %mul3A_916 : vector<128x128xf32>
    %add3A_935 = arith.addf %mul3A_920, %mul3A_924 : vector<128x128xf32>
    %add3A_936 = arith.addf %mul3A_928, %mul3A_932 : vector<128x128xf32>
    %add3A_937 = arith.addf %add3A_933, %add3A_934 : vector<128x128xf32>
    %add3A_938 = arith.addf %add3A_935, %add3A_936 : vector<128x128xf32>
    %add3A_939 = arith.addf %add3A_937, %add3A_938 : vector<128x128xf32>
    %reduce_sum3A_940 = arith.constant dense<0.000000e+00> : vector<128xf32>
    %reduce_sum3A_941 = vector.multi_reduction <add>, %convert_element_type3A_603, %reduce_sum3A_940 [1] : vector<128x8xf32> to vector<128xf32>
    %broadcast_in_dim3A_942 = vector.shape_cast %reduce_sum3A_941 : vector<128xf32> to vector<128x1xf32>
    %add3A_943 = arith.constant 1.000000e-07 : f32
    %add3A_944 = vector.broadcast %add3A_943 : f32 to vector<128x1xf32>
    %add3A_945 = arith.addf %broadcast_in_dim3A_942, %add3A_944 : vector<128x1xf32>
    %div3A_946 = vector.broadcast %add3A_945 : vector<128x1xf32> to vector<128x128xf32>
    %div3A_947 = arith.divf %add3A_939, %div3A_946 : vector<128x128xf32>
    %swap3A_948 = arith.constant 0 : index
    %swap3A_949 = arith.constant 0 : index
    %swap3A_950 = arith.constant 0 : index
    %swap3A_951 = vector.load %arg22[%swap3A_948, %swap3A_949, %swap3A_950] : memref<128x8x128xf32, #tpu.memory_space<vmem>>, vector<128x1x128xf32>
    %swap3A_952 = vector.shape_cast %swap3A_951 : vector<128x1x128xf32> to vector<128x128xf32>
    %swap3A_953 = vector.shape_cast %div3A_947 : vector<128x128xf32> to vector<128x1x128xf32>
    tpu.vector_store %arg22[%swap3A_948, %swap3A_949, %swap3A_950], %swap3A_953 {strides = array<i32>} : memref<128x8x128xf32, #tpu.memory_space<vmem>>, vector<128x1x128xf32>,
    %swap3A_954 = arith.constant 0 : index
    %swap3A_955 = arith.constant 1 : index
    %swap3A_956 = arith.constant 0 : index
    %swap3A_957 = vector.load %arg22[%swap3A_954, %swap3A_955, %swap3A_956] : memref<128x8x128xf32, #tpu.memory_space<vmem>>, vector<128x1x128xf32>
    %swap3A_958 = vector.shape_cast %swap3A_957 : vector<128x1x128xf32> to vector<128x128xf32>
    %swap3A_959 = vector.shape_cast %div3A_947 : vector<128x128xf32> to vector<128x1x128xf32>
    tpu.vector_store %arg22[%swap3A_954, %swap3A_955, %swap3A_956], %swap3A_959 {strides = array<i32>} : memref<128x8x128xf32, #tpu.memory_space<vmem>>, vector<128x1x128xf32>,
    %swap3A_960 = arith.constant 0 : index
    %swap3A_961 = arith.constant 2 : index
    %swap3A_962 = arith.constant 0 : index
    %swap3A_963 = vector.load %arg22[%swap3A_960, %swap3A_961, %swap3A_962] : memref<128x8x128xf32, #tpu.memory_space<vmem>>, vector<128x1x128xf32>
    %swap3A_964 = vector.shape_cast %swap3A_963 : vector<128x1x128xf32> to vector<128x128xf32>
    %swap3A_965 = vector.shape_cast %div3A_947 : vector<128x128xf32> to vector<128x1x128xf32>
    tpu.vector_store %arg22[%swap3A_960, %swap3A_961, %swap3A_962], %swap3A_965 {strides = array<i32>} : memref<128x8x128xf32, #tpu.memory_space<vmem>>, vector<128x1x128xf32>,
    %swap3A_966 = arith.constant 0 : index
    %swap3A_967 = arith.constant 3 : index
    %swap3A_968 = arith.constant 0 : index
    %swap3A_969 = vector.load %arg22[%swap3A_966, %swap3A_967, %swap3A_968] : memref<128x8x128xf32, #tpu.memory_space<vmem>>, vector<128x1x128xf32>
    %swap3A_970 = vector.shape_cast %swap3A_969 : vector<128x1x128xf32> to vector<128x128xf32>
    %swap3A_971 = vector.shape_cast %div3A_947 : vector<128x128xf32> to vector<128x1x128xf32>
    tpu.vector_store %arg22[%swap3A_966, %swap3A_967, %swap3A_968], %swap3A_971 {strides = array<i32>} : memref<128x8x128xf32, #tpu.memory_space<vmem>>, vector<128x1x128xf32>,
    %swap3A_972 = arith.constant 0 : index
    %swap3A_973 = arith.constant 4 : index
    %swap3A_974 = arith.constant 0 : index
    %swap3A_975 = vector.load %arg22[%swap3A_972, %swap3A_973, %swap3A_974] : memref<128x8x128xf32, #tpu.memory_space<vmem>>, vector<128x1x128xf32>
    %swap3A_976 = vector.shape_cast %swap3A_975 : vector<128x1x128xf32> to vector<128x128xf32>
    %swap3A_977 = vector.shape_cast %div3A_947 : vector<128x128xf32> to vector<128x1x128xf32>
    tpu.vector_store %arg22[%swap3A_972, %swap3A_973, %swap3A_974], %swap3A_977 {strides = array<i32>} : memref<128x8x128xf32, #tpu.memory_space<vmem>>, vector<128x1x128xf32>,
    %swap3A_978 = arith.constant 0 : index
    %swap3A_979 = arith.constant 5 : index
    %swap3A_980 = arith.constant 0 : index
    %swap3A_981 = vector.load %arg22[%swap3A_978, %swap3A_979, %swap3A_980] : memref<128x8x128xf32, #tpu.memory_space<vmem>>, vector<128x1x128xf32>
    %swap3A_982 = vector.shape_cast %swap3A_981 : vector<128x1x128xf32> to vector<128x128xf32>
    %swap3A_983 = vector.shape_cast %div3A_947 : vector<128x128xf32> to vector<128x1x128xf32>
    tpu.vector_store %arg22[%swap3A_978, %swap3A_979, %swap3A_980], %swap3A_983 {strides = array<i32>} : memref<128x8x128xf32, #tpu.memory_space<vmem>>, vector<128x1x128xf32>,
    %swap3A_984 = arith.constant 0 : index
    %swap3A_985 = arith.constant 6 : index
    %swap3A_986 = arith.constant 0 : index
    %swap3A_987 = vector.load %arg22[%swap3A_984, %swap3A_985, %swap3A_986] : memref<128x8x128xf32, #tpu.memory_space<vmem>>, vector<128x1x128xf32>
    %swap3A_988 = vector.shape_cast %swap3A_987 : vector<128x1x128xf32> to vector<128x128xf32>
    %swap3A_989 = vector.shape_cast %div3A_947 : vector<128x128xf32> to vector<128x1x128xf32>
    tpu.vector_store %arg22[%swap3A_984, %swap3A_985, %swap3A_986], %swap3A_989 {strides = array<i32>} : memref<128x8x128xf32, #tpu.memory_space<vmem>>, vector<128x1x128xf32>,
    %swap3A_990 = arith.constant 0 : index
    %swap3A_991 = arith.constant 7 : index
    %swap3A_992 = arith.constant 0 : index
    %swap3A_993 = vector.load %arg22[%swap3A_990, %swap3A_991, %swap3A_992] : memref<128x8x128xf32, #tpu.memory_space<vmem>>, vector<128x1x128xf32>
    %swap3A_994 = vector.shape_cast %swap3A_993 : vector<128x1x128xf32> to vector<128x128xf32>
    %swap3A_995 = vector.shape_cast %div3A_947 : vector<128x128xf32> to vector<128x1x128xf32>
    tpu.vector_store %arg22[%swap3A_990, %swap3A_991, %swap3A_992], %swap3A_995 {strides = array<i32>} : memref<128x8x128xf32, #tpu.memory_space<vmem>>, vector<128x1x128xf32>,
    %get3A_996 = arith.constant 0 : index
    %get3A_997 = arith.constant 0 : index
    %get3A_998 = vector.load %arg16[%get3A_996, %get3A_997] : memref<128x1xf32, #tpu.memory_space<vmem>>, vector<128x1xf32>
    %dot_general3A_999 = arith.constant dense<0.000000e+00> : vector<128x1xf32>
    %dot_general3A_1000 = tpu.matmul %div3A_947, %get3A_998, %dot_general3A_999 {dimension_numbers = #tpu.dot_dimension_numbers<[1], [0], [0], [1], [0, 0, 1, 1], [], []>, transpose_lhs_hint = false} : vector<128x128xf32>, vector<128x1xf32>, vector<128x1xf32> -> vector<128x1xf32>
    %get3A_1001 = arith.constant 0 : index
    %get3A_1002 = arith.constant 0 : index
    %get3A_1003 = vector.load %arg17[%get3A_1001, %get3A_1002] : memref<1x1xf32, #tpu.memory_space<vmem>>, vector<1x1xf32>
    %add3A_1004 = vector.broadcast %get3A_1003 : vector<1x1xf32> to vector<128x1xf32>
    %add3A_1005 = arith.addf %dot_general3A_1000, %add3A_1004 : vector<128x1xf32>
    %neg3A = arith.constant 0.000000e+00 : f32
    %neg3A_1006 = vector.broadcast %neg3A : f32 to vector<128x1xf32>
    %neg3A_1007 = arith.subf %neg3A_1006, %add3A_1005 : vector<128x1xf32>
    %exp3A_1008 = math.exp %neg3A_1007 : vector<128x1xf32>
    %add3A_1009 = arith.constant 1.000000e+00 : f32
    %add3A_1010 = vector.broadcast %add3A_1009 : f32 to vector<128x1xf32>
    %add3A_1011 = arith.addf %add3A_1010, %exp3A_1008 : vector<128x1xf32>
    %div3A_1012 = arith.constant 1.000000e+00 : f32
    %div3A_1013 = vector.broadcast %div3A_1012 : f32 to vector<128x1xf32>
    %div3A_1014 = arith.divf %div3A_1013, %add3A_1011 : vector<128x1xf32>
    %swap3A_1015 = arith.constant 0 : index
    %swap3A_1016 = arith.constant 0 : index
    %swap3A_1017 = vector.load %arg20[%swap3A_1015, %swap3A_1016] : memref<128x1xf32, #tpu.memory_space<vmem>>, vector<128x1xf32>
    tpu.vector_store %arg20[%swap3A_1015, %swap3A_1016], %div3A_1014 {strides = array<i32>} : memref<128x1xf32, #tpu.memory_space<vmem>>, vector<128x1xf32>,
    %get3A_1018 = arith.constant 0 : index
    %get3A_1019 = arith.constant 0 : index
    %get3A_1020 = vector.load %arg18[%get3A_1018, %get3A_1019] : memref<128x1xf32, #tpu.memory_space<vmem>>, vector<128x1xf32>
    %dot_general3A_1021 = arith.constant dense<0.000000e+00> : vector<128x1xf32>
    %dot_general3A_1022 = tpu.matmul %div3A_947, %get3A_1020, %dot_general3A_1021 {dimension_numbers = #tpu.dot_dimension_numbers<[1], [0], [0], [1], [0, 0, 1, 1], [], []>, transpose_lhs_hint = false} : vector<128x128xf32>, vector<128x1xf32>, vector<128x1xf32> -> vector<128x1xf32>
    %get3A_1023 = arith.constant 0 : index
    %get3A_1024 = arith.constant 0 : index
    %get3A_1025 = vector.load %arg19[%get3A_1023, %get3A_1024] : memref<1x1xf32, #tpu.memory_space<vmem>>, vector<1x1xf32>
    %add3A_1026 = vector.broadcast %get3A_1025 : vector<1x1xf32> to vector<128x1xf32>
    %add3A_1027 = arith.addf %dot_general3A_1022, %add3A_1026 : vector<128x1xf32>
    %max3A = arith.constant 0.000000e+00 : f32
    %max3A_1028 = vector.broadcast %max3A : f32 to vector<128x1xf32>
    %max3A_1029 = arith.maximumf %add3A_1027, %max3A_1028 : vector<128x1xf32>
    %abs3A = math.absf %add3A_1027 : vector<128x1xf32>
    %neg3A_1030 = arith.constant 0.000000e+00 : f32
    %neg3A_1031 = vector.broadcast %neg3A_1030 : f32 to vector<128x1xf32>
    %neg3A_1032 = arith.subf %neg3A_1031, %abs3A : vector<128x1xf32>
    %exp3A_1033 = math.exp %neg3A_1032 : vector<128x1xf32>
    %add3A_1034 = arith.constant 1.000000e+00 : f32
    %add3A_1035 = vector.broadcast %add3A_1034 : f32 to vector<128x1xf32>
    %add3A_1036 = arith.addf %add3A_1035, %exp3A_1033 : vector<128x1xf32>
    %log3A = math.log %add3A_1036 : vector<128x1xf32>
    %add3A_1037 = arith.addf %max3A_1029, %log3A : vector<128x1xf32>
    %swap3A_1038 = arith.constant 0 : index
    %swap3A_1039 = arith.constant 0 : index
    %swap3A_1040 = vector.load %arg21[%swap3A_1038, %swap3A_1039] : memref<128x1xf32, #tpu.memory_space<vmem>>, vector<128x1xf32>
    tpu.vector_store %arg21[%swap3A_1038, %swap3A_1039], %add3A_1037 {strides = array<i32>} : memref<128x1xf32, #tpu.memory_space<vmem>>, vector<128x1xf32>,
    return
  }
  func.func @transform_0(%arg0: i32) -> (i32, i32, i32) {
    %c0_i32 = arith.constant 0 : i32
    %c0_i32_0 = arith.constant 0 : i32
    %c0_i32_1 = arith.constant 0 : i32
    return %c0_i32, %arg0, %c0_i32_0 : i32, i32, i32
  }
  func.func @transform_1(%arg0: i32) -> (i32, i32, i32) {
    %c0_i32 = arith.constant 0 : i32
    %c0_i32_0 = arith.constant 0 : i32
    %c0_i32_1 = arith.constant 0 : i32
    return %c0_i32, %arg0, %c0_i32_0 : i32, i32, i32
  }
  func.func @transform_2(%arg0: i32) -> (i32, i32) {
    %c0_i32 = arith.constant 0 : i32
    %c0_i32_0 = arith.constant 0 : i32
    return %arg0, %c0_i32 : i32, i32
  }
  func.func @transform_3(%arg0: i32) -> (i32, i32) {
    %c0_i32 = arith.constant 0 : i32
    %c0_i32_0 = arith.constant 0 : i32
    return %arg0, %c0_i32 : i32, i32
  }
  func.func @transform_4(%arg0: i32) -> (i32, i32) {
    %c0_i32 = arith.constant 0 : i32
    %c0_i32_0 = arith.constant 0 : i32
    return %arg0, %c0_i32 : i32, i32
  }
  func.func @transform_5(%arg0: i32) -> (i32, i32) {
    %c0_i32 = arith.constant 0 : i32
    %c0_i32_0 = arith.constant 0 : i32
    %c0_i32_1 = arith.constant 0 : i32
    return %c0_i32, %c0_i32_0 : i32, i32
  }
  func.func @transform_6(%arg0: i32) -> (i32, i32) {
    %c0_i32 = arith.constant 0 : i32
    %c0_i32_0 = arith.constant 0 : i32
    %c0_i32_1 = arith.constant 0 : i32
    return %c0_i32, %c0_i32_0 : i32, i32
  }
  func.func @transform_7(%arg0: i32) -> (i32, i32) {
    %c0_i32 = arith.constant 0 : i32
    %c0_i32_0 = arith.constant 0 : i32
    %c0_i32_1 = arith.constant 0 : i32
    return %c0_i32, %c0_i32_0 : i32, i32
  }
  func.func @transform_8(%arg0: i32) -> (i32, i32) {
    %c0_i32 = arith.constant 0 : i32
    %c0_i32_0 = arith.constant 0 : i32
    %c0_i32_1 = arith.constant 0 : i32
    return %c0_i32, %c0_i32_0 : i32, i32
  }
  func.func @transform_9(%arg0: i32) -> (i32, i32) {
    %c0_i32 = arith.constant 0 : i32
    %c0_i32_0 = arith.constant 0 : i32
    %c0_i32_1 = arith.constant 0 : i32
    return %c0_i32, %c0_i32_0 : i32, i32
  }
  func.func @transform_10(%arg0: i32) -> (i32, i32) {
    %c0_i32 = arith.constant 0 : i32
    %c0_i32_0 = arith.constant 0 : i32
    %c0_i32_1 = arith.constant 0 : i32
    return %c0_i32, %c0_i32_0 : i32, i32
  }
  func.func @transform_11(%arg0: i32) -> (i32, i32) {
    %c0_i32 = arith.constant 0 : i32
    %c0_i32_0 = arith.constant 0 : i32
    %c0_i32_1 = arith.constant 0 : i32
    return %c0_i32, %c0_i32_0 : i32, i32
  }
  func.func @transform_12(%arg0: i32) -> (i32, i32) {
    %c0_i32 = arith.constant 0 : i32
    %c0_i32_0 = arith.constant 0 : i32
    %c0_i32_1 = arith.constant 0 : i32
    return %c0_i32, %c0_i32_0 : i32, i32
  }
  func.func @transform_13(%arg0: i32) -> (i32, i32) {
    %c0_i32 = arith.constant 0 : i32
    %c0_i32_0 = arith.constant 0 : i32
    %c0_i32_1 = arith.constant 0 : i32
    return %c0_i32, %c0_i32_0 : i32, i32
  }
  func.func @transform_14(%arg0: i32) -> (i32, i32) {
    %c0_i32 = arith.constant 0 : i32
    %c0_i32_0 = arith.constant 0 : i32
    %c0_i32_1 = arith.constant 0 : i32
    return %c0_i32, %c0_i32_0 : i32, i32
  }
  func.func @transform_15(%arg0: i32) -> (i32, i32) {
    %c0_i32 = arith.constant 0 : i32
    %c0_i32_0 = arith.constant 0 : i32
    %c0_i32_1 = arith.constant 0 : i32
    return %c0_i32, %c0_i32_0 : i32, i32
  }
  func.func @transform_16(%arg0: i32) -> (i32, i32) {
    %c0_i32 = arith.constant 0 : i32
    %c0_i32_0 = arith.constant 0 : i32
    %c0_i32_1 = arith.constant 0 : i32
    return %c0_i32, %c0_i32_0 : i32, i32
  }
  func.func @transform_17(%arg0: i32) -> (i32, i32) {
    %c0_i32 = arith.constant 0 : i32
    %c0_i32_0 = arith.constant 0 : i32
    %c0_i32_1 = arith.constant 0 : i32
    return %c0_i32, %c0_i32_0 : i32, i32
  }
  func.func @transform_18(%arg0: i32) -> (i32, i32) {
    %c0_i32 = arith.constant 0 : i32
    %c0_i32_0 = arith.constant 0 : i32
    %c0_i32_1 = arith.constant 0 : i32
    return %c0_i32, %c0_i32_0 : i32, i32
  }
  func.func @transform_19(%arg0: i32) -> (i32, i32) {
    %c0_i32 = arith.constant 0 : i32
    %c0_i32_0 = arith.constant 0 : i32
    return %arg0, %c0_i32 : i32, i32
  }
  func.func @transform_20(%arg0: i32) -> (i32, i32) {
    %c0_i32 = arith.constant 0 : i32
    %c0_i32_0 = arith.constant 0 : i32
    return %arg0, %c0_i32 : i32, i32
  }
  func.func @transform_21(%arg0: i32) -> (i32, i32, i32) {
    %c0_i32 = arith.constant 0 : i32
    %c0_i32_0 = arith.constant 0 : i32
    %c0_i32_1 = arith.constant 0 : i32
    return %arg0, %c0_i32, %c0_i32_0 : i32, i32, i32
  }
  func.func @transform_22(%arg0: i32) -> (i32, i32, i32) {
    %c0_i32 = arith.constant 0 : i32
    %c0_i32_0 = arith.constant 0 : i32
    %c0_i32_1 = arith.constant 0 : i32
    return %arg0, %c0_i32, %c0_i32_0 : i32, i32, i32
  }
  func.func @transform_23(%arg0: i32) -> (i32, i32, i32) {
    %c0_i32 = arith.constant 0 : i32
    %c0_i32_0 = arith.constant 0 : i32
    %c0_i32_1 = arith.constant 0 : i32
    return %arg0, %c0_i32, %c0_i32_0 : i32, i32, i32
  }
}

</mosaic_0001>

<sc_bundles>
// kernel: kernel.4.cloned.1.call-start
scs
__scs_entry_jumppad:
0x0: {  	(pc) =	sbr.rel $0x88, $3  }
0x1: {  	(tag) =	ssettag $0x0;
	lr =	simm.s32 $0x1  }
0x2: {  	[smem:$0x3F90] =	sst lr;
	_ =	strace $0xD0000000  }
0x3: {  	_ = 	snop  }
0x4: {  	_ = 	snop  }
0x5: {  	_ = 	snop  }
0x6: {  	_ = 	snop  }
0x7: {  	_ = 	snop  }
__scs_overlays_trampoline_lowered:
0x8: {  	[smem:$0x3F9F] =	sst s0  }
0x9: {  	[smem:$0x3FA0] =	sst s1  }
0xa: {  	[smem:$0x3FA1] =	sst s2  }
0xb: {  	[smem:$0x3FA2] =	sst s3  }
0xc: {  	[smem:$0x3FA3] =	sst s4  }
0xd: {  	[smem:$0x3FA4] =	sst s5  }
0xe: {  	[smem:$0x3FA5] =	sst s6  }
0xf: {  	[smem:$0x3FA6] =	sst s7  }
0x10: {  	[smem:$0x3FA7] =	sst s8  }
0x11: {  	[smem:$0x3FA8] =	sst s9;
	s0 =	simm.s32 @!p0 $0x0  }
0x12: {  	s1 =	sld [smem:$0x3F8E];
	s0 =	simm.s32 @p0 $0x1  }
0x13: {  	[smem:$0x3FA9] =	sst s0;
	s0 =	simm.s32 @!p1 $0x0  }
0x14: {  	s2 =	sld [smem:$0x3F8D];
	s0 =	simm.s32 @p1 $0x1  }
0x15: {  	[smem:$0x3FAA] =	sst s0;
	s0 =	simm.s32 @!p2 $0x0  }
0x16: {  	s3 =	sld [smem:$0x3FDB];
	s0 =	simm.s32 @p2 $0x1  }
0x17: {  	s4 =	simm.s32 $0x1BF5;
	[smem:$0x3FAC] =	sst s0  }
0x18: {  	s0 =	sld [smem:$0x3F8F];
	_ =	swait.ge [sflag:s4], $0x0  }
0x19: {  	s7 =	sld [smem:$0x3F90]  }
0x1a: {  	s8 =	sadd.s32 $0xFFFFE003, lr  }
0x1b: {  	s9 =	sadd.s32 $0xFFFFFEF7, lr;
	s5 =	simm.s32 $0xFFFFFFFF;
	p2 =	slt.u32 s8, $0xFFFFF086  }
0x1c: {  	p1 =	slt.u32 s9, $0xF7A;
	s5 =	simm.s32 @!p2 $0x0  }
0x1d: {  	s5 =	simm.s32 @p1 $0x1;
	p0 =	seq.s32 s7, s2  }
0x1e: {  	s7 =	smul.u32 @!p0 $0xF7A, s2;
	p2 =	seq.s32 @!p0 s5, $0x0  }
0x1f: {  	s9 =	smul.u32 $0xF7A, s1;
	s8 =	simm.s32 @!p0 $0x1BF5;
	p2 =	por !p2, p0  }
0x20: {  	[sflag:s8] =	ssyncset.s32 @!p0 $0xFFFFF086;
	s6 =	sadd.s32 @!p0 s3, s7;
	s7 =	simm.s32 @!p0 $0x108  }
0x21: {  	s3 =	sadd.s32 s3, s9;
	s6 =	sadd.s32 @!p0 $0x88, s6;
	s7 =	simm.s32 @p2 $0x1082  }
0x22: {  	[simem:s7], [sflag:s8] =	dma.local @!p0 [hbm:s6], $0xF7A  }
0x23: {  	s9 =	sor.u32 $0xD0000000, s2;
	s6 =	simm.s32 $0x108;
	_ =	swait.ge @!p0 [sflag:s8], $0x0  }
0x24: {  	s3 =	sadd.s32 $0x88, s3;
	s6 =	simm.s32 @!p1 $0x1082;
	[sflag:s4] =	ssyncset.s32 $0xFFFFF086  }
0x25: {  	[simem:s6], [sflag:s4] =	dma.local [hbm:s3], $0xF7A  }
0x26: {  	[smem:$0x3F90] =	sst s1;
	(tag) =	ssettag s2;
	_ =	strace s9  }
0x27: {  	s1 =	sld [smem:$0x3FA0]  }
0x28: {  	s2 =	sld [smem:$0x3FA1]  }
0x29: {  	s4 =	sld [smem:$0x3FA3]  }
0x2a: {  	p0 =	seq.s32 s5, $0x0;
	s5 =	sld [smem:$0x3FA4]  }
0x2b: {  	s6 =	sld [smem:$0x3FA5]  }
0x2c: {  	s7 =	sld [smem:$0x3FA6]  }
0x2d: {  	s3 =	simm.s32 $0x108;
	s8 =	sld [smem:$0x3FA7]  }
0x2e: {  	s3 =	simm.s32 @!p0 $0x1082;
	s9 =	sld [smem:$0x3FA8]  }
0x2f: {  	lr =	sadd.s32 s0, s3;
	s0 =	sld [smem:$0x3F9F]  }
0x30: {  	s3 =	sld [smem:$0x3FA2]  }
0x31: {  	[smem:$0x3FAB] =	sst s10  }
0x32: {  	s10 =	sld [smem:$0x3FA9];
	_ =	sdelay $0x3  }
0x33: {  	p0 =	seq.s32 s10, $0x1;
	s10 =	sld [smem:$0x3FAB];
	_ =	sdelay $0x3  }
0x34: {  	[smem:$0x3FAB] =	sst s10  }
0x35: {  	s10 =	sld [smem:$0x3FAA];
	_ =	sdelay $0x3  }
0x36: {  	p1 =	seq.s32 s10, $0x1;
	s10 =	sld [smem:$0x3FAB];
	_ =	sdelay $0x3  }
0x37: {  	[smem:$0x3FAB] =	sst s10  }
0x38: {  	s10 =	sld [smem:$0x3FAC]  }
0x39: {  	_ = 	snop;
	(pc) =	sbr.ind lr, $3  }
0x3a: {  	_ = 	snop  }
0x3b: {  	_ = 	snop  }
0x3c: {  	p2 =	seq.s32 s10, $0x1;
	s10 =	sld [smem:$0x3FAB]  }
0x3d: {  	_ =	shalt  }
0x3e: {  	_ =	shalt  }
0x3f: {  	_ =	shalt  }
0x40: {  	_ =	shalt  }
0x41: {  	_ =	shalt  }
0x42: {  	_ =	shalt  }
0x43: {  	_ =	shalt  }
0x44: {  	_ =	shalt  }
0x45: {  	_ =	shalt  }
0x46: {  	_ =	shalt  }
0x47: {  	_ =	shalt  }
0x48: {  	_ =	shalt  }
0x49: {  	_ =	shalt  }
0x4a: {  	_ =	shalt  }
0x4b: {  	_ =	shalt  }
0x4c: {  	_ =	shalt  }
0x4d: {  	_ =	shalt  }
0x4e: {  	_ =	shalt  }
0x4f: {  	_ =	shalt  }
0x50: {  	_ =	shalt  }
0x51: {  	_ =	shalt  }
0x52: {  	_ =	shalt  }
0x53: {  	_ =	shalt  }
0x54: {  	_ =	shalt  }
0x55: {  	_ =	shalt  }
0x56: {  	_ =	shalt  }
0x57: {  	_ =	shalt  }
0x58: {  	_ =	shalt  }
0x59: {  	_ =	shalt  }
0x5a: {  	_ =	shalt  }
0x5b: {  	_ =	shalt  }
0x5c: {  	_ =	shalt  }
0x5d: {  	_ =	shalt  }
0x5e: {  	_ =	shalt  }
0x5f: {  	_ =	shalt  }
0x60: {  	_ =	shalt  }
0x61: {  	_ =	shalt  }
0x62: {  	_ =	shalt  }
0x63: {  	_ =	shalt  }
0x64: {  	_ =	shalt  }
0x65: {  	_ =	shalt  }
0x66: {  	_ =	shalt  }
0x67: {  	_ =	shalt  }
0x68: {  	_ =	shalt  }
0x69: {  	_ =	shalt  }
0x6a: {  	_ =	shalt  }
0x6b: {  	_ =	shalt  }
0x6c: {  	_ =	shalt  }
0x6d: {  	_ =	shalt  }
0x6e: {  	_ =	shalt  }
0x6f: {  	_ =	shalt  }
0x70: {  	_ =	shalt  }
0x71: {  	_ =	shalt  }
0x72: {  	_ =	shalt  }
0x73: {  	_ =	shalt  }
0x74: {  	_ =	shalt  }
0x75: {  	_ =	shalt  }
0x76: {  	_ =	shalt  }
0x77: {  	_ =	shalt  }
0x78: {  	_ =	shalt  }
0x79: {  	_ =	shalt  }
0x7a: {  	_ =	shalt  }
0x7b: {  	_ =	shalt  }
0x7c: {  	_ =	shalt  }
0x7d: {  	_ =	shalt  }
0x7e: {  	_ =	shalt  }
0x7f: {  	_ =	shalt  }
0x80: {  	_ =	shalt  }
0x81: {  	_ =	shalt  }
0x82: {  	_ =	shalt  }
0x83: {  	_ =	shalt  }
0x84: {  	_ =	shalt  }
0x85: {  	_ =	shalt  }
0x86: {  	_ =	shalt  }
0x87: {  	_ =	shalt  }
.Lfunc_end0:
.L_simem_size_0:
called_computation_lowered:
.L_overlay_start_0:
0x88: {  	s2 =	sld [smem:$0x3FD9]  }
0x89: {  	s3 =	sld [smem:$0x3FFE];
	_ =	sdelay $0x1  }
0x8a: {  	s1 =	srdreg.scid  }
0x8b: {  	s0 =	sand.u32 $0x1, s1  }
0x8c: {  	s14 =	sshll.u32 s0, $0xA;
	s2 =	sadd.s32 s3, s2  }
0x8d: {  	s2 =	sadd.s32 s2, s14  }
0x8e: {  	[smem:$0x3FB7] =	sst s2  }
0x8f: {  	_ = 	snop  }
0x90: {  	s2 =	sld [smem:$0x3FD0];
	_ =	sdelay $0x2  }
0x91: {  	s4 =	simm.s32 $0xA;
	s5 =	simm.s32 $0x10;
	s15 =	sld [smem:$0x3FC9]  }
0x92: {  	[smem:s5], [sflag:s4] =	dma.local [hbm:s2], $0x1  }
0x93: {  	_ =	swait.eq [sflag:s4], $0x1  }
0x94: {  	[sflag:s4] =	ssyncset.done $0x0  }
0x95: {  	s16 =	sld [smem:$0x13];
	[sflag:s4] =	ssyncadd.s32 $0xFFFFFFFF  }
0x96: {  	s17 =	sld [smem:$0x14];
	(tm) =	ssettm $0x1  }
0x97: {  	s18 =	sld [smem:$0x3FFB];
	_ =	sdelay $0x3  }
0x98: {  	_ =	strace s18  }
0x99: {  	s5 =	sld [smem:$0x3FFC];
	_ =	sdelay $0x3  }
0x9a: {  	_ =	strace s5  }
0x9b: {  	s5 =	sld [smem:$0x3FFD];
	_ =	sdelay $0x3  }
0x9c: {  	_ =	strace s5  }
0x9d: {  	_ =	strace $0x8FFFFFFF  }
0x9e: {  	s19 =	sld [smem:$0x3FDB];
	_ =	sdelay $0x1  }
0x9f: {  	s6 =	simm.s32 $_scs_section_size  }
0xa0: {  	s7 =	simm.s32 $_size__tile_overlayer_lowered;
	s8 =	simm.s32 $_tile_overlayer_lowered  }
0xa1: {  	s22 =	simm.s32 $0x1BFF;
	s21 =	sshll.u32 s8, $0x1;
	s5 =	sadd.s32 s6, s19  }
0xa2: {  	s9 =	simm.s32 $0x0;
	s20 =	sshll.u32 s7, $0x1;
	s7 =	sadd.s32 s21, s5  }
0xa3: {  	[timem:s9], [sflag:s22] =	dma.local [hbm:s7], s20  }
0xa4: {  	_ =	swait.ge [sflag:s22], s20  }
0xa5: {  	s6 =	ssub.s32 $0x0, s20;
	[sflag:s22] =	ssyncset.done $0x0  }
0xa6: {  	[sflag:s22] =	ssyncadd.s32 s6;
	_ =	sdelay $0x1  }
0xa7: {  	s23 =	simm.s32 $0x1B8B  }
0xa8: {  	_ =	swait.ge [sflag:s23], $0x1  }
0xa9: {  	[sflag:s23] =	ssyncset.done $0x0  }
0xaa: {  	s25 =	simm.s32 $0x1B8E;
	s24 =	sld [smem:$0x3FFE];
	[sflag:s23] =	ssyncadd.s32 $0xFFFFFFFF  }
0xab: {  	s26 =	simm.s32 $execute0_lowered;
	[smem:$0x3FD2] =	sst s25  }
0xac: {  	s7 =	sshll.u32 s26, $0x1;
	_ =	strace $0x80000046;
	[dreg:$0x1] =	wrdreg $0xFFFFFFFF  }
0xad: {  	s28 =	simm.s32 $_size_execute0_lowered;
	s5 =	sadd.s32 s5, s7;
	[dreg:$0x0] =	wrdreg $0x0  }
0xae: {  	s7 =	sshll.u32 s28, $0x1;
	[dreg:$0x2] =	wrdreg s5  }
0xaf: {  	[dreg:$0x3] =	wrdreg s7  }
0xb0: {  	[dreg:$0x4] =	wrdreg $0xC0  }
0xb1: {  	_ =	task [dreg:s9], $0x5FFFF  }
0xb2: {  	[dreg:$0x1] =	wrdreg $0xFFFFFFFF  }
0xb3: {  	[dreg:$0x0] =	wrdreg $0x60  }
0xb4: {  	[dreg:$0x2] =	wrdreg s15  }
0xb5: {  	[dreg:$0x3] =	wrdreg s16  }
0xb6: {  	[dreg:$0x4] =	wrdreg s24  }
0xb7: {  	[dreg:$0x5] =	wrdreg s17  }
0xb8: {  	[dreg:$0x6] =	wrdreg $0x9  }
0xb9: {  	_ =	task.clear_ibuf [dreg:s9], $0x7FFFF;
	_ =	strace $0x90000046  }
0xba: {  	s29 =	simm.s32 $0x9;
	_ =	strace $0x80000048  }
0xbb: {  	_ =	swait.ge [sflag:s29], $0x1  }
0xbc: {  	[sflag:s29] =	ssyncadd.s32 $0xFFFFFFFF  }
0xbd: {  	_ =	strace $0x90000048  }
0xbe: {  	_ =	sfence  }
0xbf: {  	s30 =	sld [smem:$0x0];
	_ =	sdelay $0x2  }
0xc0: {  	s31 =	sshll.u32 s1, $0xD;
	s1 =	sshrl.u32 s1, $0x2  }
0xc1: {  	s3 =	sand.u32 $0x4000, s31;
	s1 =	sadd.s32 s1, s30  }
0xc2: {  	s0 =	sor.u32 s3, s0;
	s1 =	sshll.u32 s1, $0x11  }
0xc3: {  	s0 =	sor.u32 s1, s0  }
0xc4: {  	s0 =	sadd.s32 $0x8F2B, s0  }
0xc5: {  	[sflag:s0] =	ssyncadd.remote.s32 $0x1  }
0xc6: {  	_ =	sfence.sel $0xFFFF  }
0xc7: {  	[dreg:$0x0] =	wrdreg $0xFFFFFFFF;
	(pc) =	sbr.abs _section_cstart, $3  }
0xc8: {  	[dreg:$0x1] =	wrdreg $0xFFFFFFFF  }
0xc9: {  	_ =	task.clear_ibuf [dreg:s9], $0x2FFFF;
	_ =	strace $0x9FFFFFFF  }
0xca: {  	(tm) =	ssettm $0x7FFFFFFF  }
0xcb: {  	_ =	shalt  }
tec
execute0_lowered:
.L_overlay_start_1:
0x0: {  	(tag) =	ssettag $0x1  }
0x1: {  	s1 =	rddreg [dreg:$0x0]  }
0x2: {  	s4 =	rddreg [dreg:$0x1]  }
0x3: {  	s20 =	rddreg [dreg:$0x2]  }
0x4: {  	s2 =	srdreg.scid;
	s0 =	stileid.u32  }
0x5: {  	s21 =	rddreg [dreg:$0x3];
	s22 =	sand.u32 $0x1, s2;
	s5 =	sshll.u32 s0, $0x1  }
0x6: {  	s3 =	simm.s32 $0x0;
	s2 =	rddreg [dreg:$0x4];
	s23 =	sor.u32 s22, s5  }
0x7: {  	[smem:$0x7FF] =	sst s3;
	s5 =	sshll.u32 s23, $0x7  }
0x8: {  	_ =	strace $0x80000047;
	s5 =	sadd.s32 s4, s5;
	s4 =	simm.s32 $0x2  }
0x9: {  	[tilespmem:s3], [sflag:$0x2] =	stream.linear.gather [hbm4b:s5+s3], $0x400, $0x38;
	[tilespmem:$0x1C400] =	vst v63  }
0xa: {  	_ =	swait.ge [sflag:s4], $0x400  }
0xb: {  	[sflag:s4] =	ssyncset.done $0x0  }
0xc: {  	s6 =	simm.s32 $0x80;
	s7 =	simm.s32 $0x400;
	[sflag:s4] =	ssyncadd.s32 $0xFFFFFC00  }
0xd: {  	[tilespmem:s7], [sflag:$0x1] =	stream.indirect.gather [hbm4b:s1+s6], $0x80, s3, s6, $0xb8;
	[tilespmem:$0x1C400] =	vst v63  }
0xe: {  	s8 =	simm.s32 $0x4400  }
0xf: {  	[tilespmem:s8], [sflag:$0x1] =	stream.indirect.gather [hbm4b:s1+s6], $0x80, s6, s6, $0xb8;
	[tilespmem:$0x1C400] =	vst v63  }
0x10: {  	s9 =	simm.s32 $0x100;
	s10 =	simm.s32 $0x8400  }
0x11: {  	[tilespmem:s10], [sflag:$0x1] =	stream.indirect.gather [hbm4b:s1+s6], $0x80, s9, s6, $0xb8;
	[tilespmem:$0x1C400] =	vst v63  }
0x12: {  	s11 =	simm.s32 $0x180;
	s12 =	simm.s32 $0xC400  }
0x13: {  	[tilespmem:s12], [sflag:$0x1] =	stream.indirect.gather [hbm4b:s1+s6], $0x80, s11, s6, $0xb8;
	[tilespmem:$0x1C400] =	vst v63  }
0x14: {  	s13 =	simm.s32 $0x200;
	s14 =	simm.s32 $0x10400  }
0x15: {  	[tilespmem:s14], [sflag:$0x1] =	stream.indirect.gather [hbm4b:s1+s6], $0x80, s13, s6, $0xb8;
	[tilespmem:$0x1C400] =	vst v63  }
0x16: {  	s15 =	simm.s32 $0x280;
	s16 =	simm.s32 $0x14400  }
0x17: {  	[tilespmem:s16], [sflag:$0x1] =	stream.indirect.gather [hbm4b:s1+s6], $0x80, s15, s6, $0xb8;
	[tilespmem:$0x1C400] =	vst v63  }
0x18: {  	s17 =	simm.s32 $0x300;
	s18 =	simm.s32 $0x18400;
	s19 =	simm.s32 $0x1  }
0x19: {  	[tilespmem:s18], [sflag:$0x1] =	stream.indirect.gather [hbm4b:s1+s6], $0x80, s17, s6, $0xb8;
	[tilespmem:$0x1C400] =	vst v63  }
0x1a: {  	_ =	swait.ge [sflag:s19], $0x4000  }
0x1b: {  	[sflag:s19] =	ssyncset.done $0x0  }
0x1c: {  	[sflag:s19] =	ssyncadd.s32 $0xFFFFC000  }
0x1d: {  	_ =	swait.ge [sflag:s19], $0x4000  }
0x1e: {  	[sflag:s19] =	ssyncset.done $0x0  }
0x1f: {  	[sflag:s19] =	ssyncadd.s32 $0xFFFFC000  }
0x20: {  	_ =	swait.ge [sflag:s19], $0x4000  }
0x21: {  	[sflag:s19] =	ssyncset.done $0x0  }
0x22: {  	[sflag:s19] =	ssyncadd.s32 $0xFFFFC000  }
0x23: {  	_ =	swait.ge [sflag:s19], $0x4000  }
0x24: {  	[sflag:s19] =	ssyncset.done $0x0  }
0x25: {  	[sflag:s19] =	ssyncadd.s32 $0xFFFFC000  }
0x26: {  	_ =	swait.ge [sflag:s19], $0x4000  }
0x27: {  	[sflag:s19] =	ssyncset.done $0x0  }
0x28: {  	[sflag:s19] =	ssyncadd.s32 $0xFFFFC000  }
0x29: {  	_ =	swait.ge [sflag:s19], $0x4000  }
0x2a: {  	[sflag:s19] =	ssyncset.done $0x0  }
0x2b: {  	s22 =	ssub.s32 $0x2, s22;
	s24 =	smul.u32 $0x2800, s23;
	[sflag:s19] =	ssyncadd.s32 $0xFFFFC000  }
0x2c: {  	s31 =	sshrl.u32 s22, $0x1;
	_ =	swait.ge [sflag:s19], $0x4000  }
0x2d: {  	s22 =	ssub.s32 s22, s31;
	s20 =	sadd.s32 s24, s20;
	[sflag:s19] =	ssyncset.done $0x0  }
0x2e: {  	s22 =	smax.u32 s22, $0x1;
	s20 =	sadd.s32 $0x2C00, s20;
	[sflag:s19] =	ssyncadd.s32 $0xFFFFC000  }
0x2f: {  	[hbm4b:s20+s3] =	stream.linear.scatter [tilespmem:s7], [sflag:$0x2], $0x14000, $0x38;
	[tilespmem:$0x1C400] =	vst v63  }
0x30: {  	p0 =	sne.s32 s22, $0x1;
	_ =	swait.ge [sflag:s4], $0x14000  }
.Ltmp0:
0x31: {  	s23 =	sshll.u32 s23, $0xC;
	[sflag:s4] =	ssyncset.done $0x0;
	(pc) =	sbr.rel @!p0 .LBB2_2-.Ltmp0, $4  }
0x32: {  	s21 =	sadd.s32 s21, s23;
	[sflag:s4] =	ssyncadd.s32 $0xFFFEC000  }
0x33: {  	[hbm4b:s21+s3] =	stream.linear.scatter [tilespmem:s16], [sflag:$0x2], $0x8000, $0x38;
	[tilespmem:$0x1C400] =	vst v63  }
0x34: {  	_ =	swait.ge [sflag:s4], $0x8000  }
0x35: {  	s22 =	sadd.s32 $0xFFFFFFFF, s22;
	[sflag:s4] =	ssyncset.done $0x0  }
.LBB2_1:
0x36: {  	p0 =	sne.s32 s22, $0x1;
	s22 =	sadd.s32 $0xFFFFFFFF, s22;
	[sflag:s4] =	ssyncadd.s32 $0xFFFF8000  }
0x37: {  	[tilespmem:s3], [sflag:$0x2] =	stream.linear.gather [hbm4b:s5+s3], $0x400, $0x38;
	[tilespmem:$0x1C400] =	vst v63  }
0x38: {  	_ =	swait.ge [sflag:s4], $0x400  }
0x39: {  	[sflag:s4] =	ssyncset.done $0x0  }
0x3a: {  	[sflag:s4] =	ssyncadd.s32 $0xFFFFFC00  }
0x3b: {  	[tilespmem:s7], [sflag:$0x1] =	stream.indirect.gather [hbm4b:s1+s6], $0x80, s3, s6, $0xb8;
	[tilespmem:$0x1C400] =	vst v63  }
0x3c: {  	_ = 	snop  }
0x3d: {  	[tilespmem:s8], [sflag:$0x1] =	stream.indirect.gather [hbm4b:s1+s6], $0x80, s6, s6, $0xb8;
	[tilespmem:$0x1C400] =	vst v63  }
0x3e: {  	_ = 	snop  }
0x3f: {  	[tilespmem:s10], [sflag:$0x1] =	stream.indirect.gather [hbm4b:s1+s6], $0x80, s9, s6, $0xb8;
	[tilespmem:$0x1C400] =	vst v63  }
0x40: {  	_ = 	snop  }
0x41: {  	[tilespmem:s12], [sflag:$0x1] =	stream.indirect.gather [hbm4b:s1+s6], $0x80, s11, s6, $0xb8;
	[tilespmem:$0x1C400] =	vst v63  }
0x42: {  	_ = 	snop  }
0x43: {  	[tilespmem:s14], [sflag:$0x1] =	stream.indirect.gather [hbm4b:s1+s6], $0x80, s13, s6, $0xb8;
	[tilespmem:$0x1C400] =	vst v63  }
0x44: {  	_ = 	snop  }
0x45: {  	[tilespmem:s16], [sflag:$0x1] =	stream.indirect.gather [hbm4b:s1+s6], $0x80, s15, s6, $0xb8;
	[tilespmem:$0x1C400] =	vst v63  }
0x46: {  	_ = 	snop  }
0x47: {  	[tilespmem:s18], [sflag:$0x1] =	stream.indirect.gather [hbm4b:s1+s6], $0x80, s17, s6, $0xb8;
	[tilespmem:$0x1C400] =	vst v63  }
0x48: {  	_ =	swait.ge [sflag:s19], $0x4000  }
0x49: {  	[sflag:s19] =	ssyncset.done $0x0  }
0x4a: {  	[sflag:s19] =	ssyncadd.s32 $0xFFFFC000  }
0x4b: {  	_ =	swait.ge [sflag:s19], $0x4000  }
0x4c: {  	[sflag:s19] =	ssyncset.done $0x0  }
0x4d: {  	[sflag:s19] =	ssyncadd.s32 $0xFFFFC000  }
0x4e: {  	_ =	swait.ge [sflag:s19], $0x4000  }
0x4f: {  	[sflag:s19] =	ssyncset.done $0x0  }
0x50: {  	[sflag:s19] =	ssyncadd.s32 $0xFFFFC000  }
0x51: {  	_ =	swait.ge [sflag:s19], $0x4000  }
0x52: {  	[sflag:s19] =	ssyncset.done $0x0  }
0x53: {  	[sflag:s19] =	ssyncadd.s32 $0xFFFFC000  }
0x54: {  	_ =	swait.ge [sflag:s19], $0x4000  }
0x55: {  	[sflag:s19] =	ssyncset.done $0x0  }
0x56: {  	[sflag:s19] =	ssyncadd.s32 $0xFFFFC000  }
0x57: {  	_ =	swait.ge [sflag:s19], $0x4000  }
0x58: {  	[sflag:s19] =	ssyncset.done $0x0  }
0x59: {  	[sflag:s19] =	ssyncadd.s32 $0xFFFFC000  }
0x5a: {  	_ =	swait.ge [sflag:s19], $0x4000  }
0x5b: {  	[sflag:s19] =	ssyncset.done $0x0  }
0x5c: {  	[sflag:s19] =	ssyncadd.s32 $0xFFFFC000  }
0x5d: {  	[hbm4b:s20+s3] =	stream.linear.scatter [tilespmem:s7], [sflag:$0x2], $0x14000, $0x38;
	[tilespmem:$0x1C400] =	vst v63  }
0x5e: {  	_ =	swait.ge [sflag:s4], $0x14000  }
.Ltmp1:
0x5f: {  	[sflag:s4] =	ssyncset.done $0x0;
	(pc) =	sbr.rel @p0 .LBB2_1-.Ltmp1, $4  }
0x60: {  	[sflag:s4] =	ssyncadd.s32 $0xFFFEC000  }
0x61: {  	[hbm4b:s21+s3] =	stream.linear.scatter [tilespmem:s16], [sflag:$0x2], $0x8000, $0x38;
	[tilespmem:$0x1C400] =	vst v63  }
0x62: {  	_ =	swait.ge [sflag:s4], $0x8000  }
0x63: {  	[sflag:s4] =	ssyncset.done $0x0  }
.LBB2_2:
0x64: {  	[sflag:s4] =	ssyncadd.s32 $0xFFFF8000  }
0x65: {  	_ =	sfence.sel $0x180000  }
0x66: {  	[bflag:$0x0] =	sbarrier.arrive $0xFFFF  }
0x67: {  	p0 =	sne.s32 s0, $0x0;
	_ =	strace $0x90000047  }
0x68: {  	s0 =	sadd.s32 @!p0 $0x100000, s2;
	[bflag:$0x2] =	sbarrier.arrive $0xFFFF  }
0x69: {  	[sflag:s0] =	ssyncadd.tile.s32 @!p0 $0x1;
	_ =	shalt  }
.Lfunc_end2:
_tile_overlayer_lowered:
.L_overlay_start_2:
0x6a: {  	(tag) =	ssettag $0x2  }
0x6b: {  	s0 =	rddreg [dreg:$0x0];
	s2 =	stileid.u32  }
0x6c: {  	s1 =	rddreg [dreg:$0x1];
	p0 =	sne.s32 s2, $0x0  }
0x6d: {  	s3 =	rddreg [dreg:$0x2];
	[bflag:$0x3] =	sbarrier.arrive $0xFFFF;
	s2 =	simm.s32 @!p0 $0x1C02  }
0x6e: {  	[timem:s3], [sflag:s2] =	dma.local @!p0 [hbm:s0], s1  }
0x6f: {  	s0 =	simm.s32 @!p0 $0x2  }
0x70: {  	_ =	swait.ge @!p0 [sflag:s0], s1  }
0x71: {  	s1 =	ssub.s32 @!p0 $0x0, s1;
	[sflag:s0] =	ssyncset.done @!p0 $0x0  }
0x72: {  	[sflag:s0] =	ssyncadd.s32 @!p0 s1  }
0x73: {  	[bflag:$0x3] =	sbarrier.arrive $0xFFFF  }
0x74: {  	_ =	shalt  }

</sc_bundles>
